<compile_context>
chip_gen: v7x
topology: tpu7x:2x2x1
jax: 0.10.2.dev20260603
libtpu: 0.0.44.dev20260713+nightly
codegen_flags: <defaults>
</compile_context>

<pallas_src>
import functools

import jax
import jax.numpy as jnp
from jax import lax
from jax.experimental import pallas as pl
from jax.experimental.pallas import tpu as pltpu
from jax.experimental.pallas import tpu_sc as plsc

N = 50000
R = 474
D = 128
MAXN = 10

NC = 2
NS = 16
NW = NC * NS

CH = 8
PER_W = 1568
NK = PER_W // CH
NPAD = PER_W * NW


def _sc_segment_sums(idx_rel_flat, idx_ent_flat, rel_tbl, ent_tbl):
    mesh = plsc.VectorSubcoreMesh(core_axis_name="c", subcore_axis_name="s")

    @functools.partial(
        pl.kernel,
        out_type=jax.ShapeDtypeStruct((NPAD, 2 * D), jnp.float32),
        mesh=mesh,
        scratch_types=[
            pltpu.VMEM((CH * MAXN,), jnp.int32),
            pltpu.VMEM((CH * MAXN,), jnp.int32),
            pltpu.VMEM((CH * MAXN, D), jnp.float32),
            pltpu.VMEM((CH * MAXN, D), jnp.float32),
            pltpu.VMEM((CH, 2 * D), jnp.float32),
            pltpu.SemaphoreType.DMA,
            pltpu.SemaphoreType.DMA,
        ],
    )
    def k(idx_rel_hbm, idx_ent_hbm, rel_hbm, ent_hbm, out_hbm,
          idx_r, idx_e, rows_r, rows_e, out_v, sem_r, sem_e):
        wid = lax.axis_index("s") * NC + lax.axis_index("c")

        def chunk_body(ki, carry):
            b = wid * PER_W + ki * CH
            pltpu.sync_copy(idx_rel_hbm.at[pl.ds(b * MAXN, CH * MAXN)], idx_r)
            pltpu.sync_copy(idx_ent_hbm.at[pl.ds(b * MAXN, CH * MAXN)], idx_e)
            cp_r = pltpu.async_copy(rel_hbm.at[idx_r], rows_r, sem_r)
            cp_e = pltpu.async_copy(ent_hbm.at[idx_e], rows_e, sem_e)
            cp_r.wait()
            cp_e.wait()

            def ent_body(e, carry2):
                base = e * MAXN
                for c in range(D // 16):
                    col = c * 16
                    sr = rows_r[base, pl.ds(col, 16)]
                    se = rows_e[base, pl.ds(col, 16)]
                    for r in range(1, MAXN):
                        sr = sr + rows_r[base + r, pl.ds(col, 16)]
                        se = se + rows_e[base + r, pl.ds(col, 16)]
                    out_v[e, pl.ds(col, 16)] = sr
                    out_v[e, pl.ds(D + col, 16)] = se
                return carry2

            lax.fori_loop(0, CH, ent_body, 0)
            pltpu.sync_copy(out_v, out_hbm.at[pl.ds(b, CH)])
            return carry

        lax.fori_loop(0, NK, chunk_body, 0)

    return k(idx_rel_flat, idx_ent_flat, rel_tbl, ent_tbl)


def _tc_head(sums_pad, entity_embds, deg_col, W_agg, W_self, b_agg, b_self):
    RB = 1000
    grid = (N // RB,)

    def body(sums_ref, ent_ref, deg_ref, wa_ref, ws_ref, ba_ref, bs_ref, out_ref):
        agg = jnp.dot(sums_ref[...], wa_ref[...],
                      preferred_element_type=jnp.float32)
        agg = (agg + MAXN * ba_ref[...]) / deg_ref[...]
        ws = ws_ref[...]
        x = jnp.dot(ent_ref[...], ws[:D], preferred_element_type=jnp.float32)
        x = x + jnp.dot(agg, ws[D:], preferred_element_type=jnp.float32)
        out_ref[...] = jnp.tanh(x + bs_ref[...])

    return pl.pallas_call(
        body,
        grid=grid,
        in_specs=[
            pl.BlockSpec((RB, 2 * D), lambda i: (i, 0)),
            pl.BlockSpec((RB, D), lambda i: (i, 0)),
            pl.BlockSpec((RB, 1), lambda i: (i, 0)),
            pl.BlockSpec((2 * D, D), lambda i: (0, 0)),
            pl.BlockSpec((2 * D, D), lambda i: (0, 0)),
            pl.BlockSpec((1, D), lambda i: (0, 0)),
            pl.BlockSpec((1, D), lambda i: (0, 0)),
        ],
        out_specs=pl.BlockSpec((RB, D), lambda i: (i, 0)),
        out_shape=jax.ShapeDtypeStruct((N, D), jnp.float32),
    )(sums_pad, entity_embds, deg_col, W_agg, W_self, b_agg, b_self)


def kernel(neigh_rel, neigh_ent, e1_degrees, entity_embds, relation_embds,
           W_agg, b_agg, W_self, b_self):
    pad = NPAD - N
    idx_rel = jnp.pad(neigh_rel.astype(jnp.int32), ((0, pad), (0, 0))).reshape(-1)
    idx_ent = jnp.pad(neigh_ent.astype(jnp.int32), ((0, pad), (0, 0))).reshape(-1)

    sums = _sc_segment_sums(idx_rel, idx_ent, relation_embds, entity_embds)

    return _tc_head(sums, entity_embds, e1_degrees.reshape(-1, 1),
                    W_agg, W_self, b_agg.reshape(1, D), b_self.reshape(1, D))

# --- scband reference (transcript-rebuilt; emitter-appended) ---
"""Pipeline reference for scband-knowledge-graph-33320356282978 (READ-ONLY COPY).

The authoritative reference and input builder live on the scoring server;
editing this copy changes nothing except your own understanding.
"""

import jax, jax.numpy as jnp
import numpy as np

N = 50000       # num_entities
R = 474         # num_relations (incl. inverse)
D = 128         # entity_dim == relation_dim
MAXN = 10       # max_ neighbors per entity (hardcoded in module)


def setup_inputs(seed: int = 0) -> dict:
    key = jax.random.key(seed)
    ks = jax.random.split(key, 8)
    # graph structure: per-entity fixed-size neighbor lists (relation id, neighbor entity id)
    neigh_rel = jax.random.randint(ks[0], (N, MAXN), 0, R, dtype=jnp.int64)
    neigh_ent = jax.random.randint(ks[1], (N, MAXN), 0, N, dtype=jnp.int64)
    # e1_degrees = len(neighbors) + 1, in [1, 11]
    e1_degrees = jax.random.uniform(ks[2], (N,), minval=1.0, maxval=11.0, dtype=jnp.float32)
    # learned parameters (pretrained entity / relation embeddings + two linear layers)
    entity_embds = jax.random.normal(ks[3], (N, D), dtype=jnp.float32) * 0.05
    relation_embds = jax.random.normal(ks[4], (R, D), dtype=jnp.float32) * 0.05
    W_agg = jax.random.normal(ks[5], (2 * D, D), dtype=jnp.float32) * (1.0 / np.sqrt(2 * D))
    b_agg = jnp.zeros((D,), dtype=jnp.float32)
    W_self = jax.random.normal(ks[6], (2 * D, D), dtype=jnp.float32) * (1.0 / np.sqrt(2 * D))
    b_self = jnp.zeros((D,), dtype=jnp.float32)
    return {
        'neigh_rel': neigh_rel,
        'neigh_ent': neigh_ent,
        'e1_degrees': e1_degrees,
        'entity_embds': entity_embds,
        'relation_embds': relation_embds,
        'W_agg': W_agg,
        'b_agg': b_agg,
        'W_self': W_self,
        'b_self': b_self,
    }


def reference(neigh_rel, neigh_ent, e1_degrees, entity_embds, relation_embds,
              W_agg, b_agg, W_self, b_self):
    # Neighbor encoder / message passing step of the KnowledgeGraph module:
    # gather relation + neighbor-entity embeddings along the fixed-size
    # adjacency tensor graph[N, MAXN, 2], apply entity_neigh_agg linear,
    # mean-pool by degree, concat with self embedding, apply entity_neigh_self.
    rel_e = jnp.take(relation_embds, neigh_rel, axis=0)   # [N, MAXN, D]
    ent_e = jnp.take(entity_embds, neigh_ent, axis=0)     # [N, MAXN, D]
    concat = jnp.concatenate([rel_e, ent_e], axis=-1)      # [N, MAXN, 2D]
    agg = concat @ W_agg + b_agg                            # entity_neigh_agg
    agg = jnp.sum(agg, axis=1) / e1_degrees[:, None]        # degree-normalized sum
    self_cat = jnp.concatenate([entity_embds, agg], axis=-1)  # [N, 2D]
    out = self_cat @ W_self + b_self                        # entity_neigh_self
    return jnp.tanh(out)

if __name__ == "__main__":
    import jax
    _d = setup_inputs()
    print(jax.jit(kernel)(*tuple(_d.values())))

</pallas_src>

<mosaic_0001>
#map = affine_map<(d0, d1) -> (0)>
#map1 = affine_map<(d0, d1) -> (0, 0)>
module attributes {stable_mosaic.version = 14 : i64} {
  func.func @k(%arg0: i32, %arg1: i32, %arg2: memref<501760xi32, #tpu.memory_space<hbm>>, %arg3: memref<501760xi32, #tpu.memory_space<hbm>>, %arg4: memref<474x128xf32, #tpu.memory_space<hbm>>, %arg5: memref<50000x128xf32, #tpu.memory_space<hbm>>, %arg6: memref<50176x256xf32, #tpu.memory_space<hbm>>, %arg7: memref<80xi32, #tpu.memory_space<vmem>>, %arg8: memref<80xi32, #tpu.memory_space<vmem>>, %arg9: memref<80x128xf32, #tpu.memory_space<vmem>>, %arg10: memref<80x128xf32, #tpu.memory_space<vmem>>, %arg11: memref<8x256xf32, #tpu.memory_space<vmem>>, %arg12: memref<!tpu.dma_semaphore, #tpu.memory_space<semaphore_mem>>, %arg13: memref<!tpu.dma_semaphore, #tpu.memory_space<semaphore_mem>>) attributes {dimension_semantics = [#tpu.dimension_semantics<core_parallel>, #tpu.dimension_semantics<subcore_parallel>], iteration_bounds = array<i64: 2, 16>, scalar_prefetch = 0 : i64, scratch_operands = 7 : i64, tpu.core_type = #tpu.core_type<sc_vector_subcore>, window_params = [{transform_indices = #map}, {transform_indices = #map}, {transform_indices = #map1}, {transform_indices = #map1}, {transform_indices = #map1}]} {
    %mul3A = arith.constant 2 : i32
    %mul3A_0 = arith.muli %arg1, %mul3A : i32
    %add3A = arith.addi %mul3A_0, %arg0 : i32
    %scan3A = arith.constant 0 : i32
    %scan3A_1 = arith.constant 0 : i32
    %scan3A_2 = arith.constant 196 : i32
    %scan3A_3 = arith.addi %scan3A_1, %scan3A_2 : i32
    %scan3A_4 = arith.constant 1 : i32
    scf.for %scan3A_6 = %scan3A_1 to %scan3A_3 step %scan3A_4  : i32 {
      %mul3A_7 = arith.constant 1568 : i32
      %mul3A_8 = arith.muli %add3A, %mul3A_7 : i32
      %mul3A_9 = arith.constant 8 : i32
      %mul3A_10 = arith.muli %scan3A_6, %mul3A_9 : i32
      %add3A_11 = arith.addi %mul3A_8, %mul3A_10 : i32
      %mul3A_12 = arith.constant 10 : i32
      %mul3A_13 = arith.muli %add3A_11, %mul3A_12 : i32
      "tpu.region"() ({
        %run_scoped3A = tpu.sem_alloc : memref<!tpu.dma_semaphore, #tpu.memory_space<semaphore_mem>>
        %dma_start3A_32 = tpu.memref_slice %arg2[%mul3A_13] : memref<501760xi32, #tpu.memory_space<hbm>> -> memref<80xi32, #tpu.memory_space<hbm>>
        %dma_start3A_33 = tpu.memref_slice %arg2[%mul3A_13] : memref<501760xi32, #tpu.memory_space<hbm>> -> memref<80xi32, #tpu.memory_space<hbm>>
        tpu.enqueue_dma source(%dma_start3A_33 : memref<80xi32, #tpu.memory_space<hbm>>) target(%arg7 : memref<80xi32, #tpu.memory_space<vmem>>) target_semaphore(%run_scoped3A : memref<!tpu.dma_semaphore, #tpu.memory_space<semaphore_mem>>)
        %dma_wait3A_34 = tpu.memref_slice %arg2[%mul3A_13] : memref<501760xi32, #tpu.memory_space<hbm>> -> memref<80xi32, #tpu.memory_space<hbm>>
        %dma_wait3A_35 = tpu.memref_slice %arg2[%mul3A_13] : memref<501760xi32, #tpu.memory_space<hbm>> -> memref<80xi32, #tpu.memory_space<hbm>>
        tpu.wait_dma2 semaphore(%run_scoped3A : memref<!tpu.dma_semaphore, #tpu.memory_space<semaphore_mem>>) src(%dma_wait3A_35 : memref<80xi32, #tpu.memory_space<hbm>>) dst(%arg7 : memref<80xi32, #tpu.memory_space<vmem>>)
        tpu.yield
      }) : () -> ()
      %mul3A_14 = arith.constant 10 : i32
      %mul3A_15 = arith.muli %add3A_11, %mul3A_14 : i32
      "tpu.region"() ({
        %run_scoped3A = tpu.sem_alloc : memref<!tpu.dma_semaphore, #tpu.memory_space<semaphore_mem>>
        %dma_start3A_32 = tpu.memref_slice %arg3[%mul3A_15] : memref<501760xi32, #tpu.memory_space<hbm>> -> memref<80xi32, #tpu.memory_space<hbm>>
        %dma_start3A_33 = tpu.memref_slice %arg3[%mul3A_15] : memref<501760xi32, #tpu.memory_space<hbm>> -> memref<80xi32, #tpu.memory_space<hbm>>
        tpu.enqueue_dma source(%dma_start3A_33 : memref<80xi32, #tpu.memory_space<hbm>>) target(%arg8 : memref<80xi32, #tpu.memory_space<vmem>>) target_semaphore(%run_scoped3A : memref<!tpu.dma_semaphore, #tpu.memory_space<semaphore_mem>>)
        %dma_wait3A_34 = tpu.memref_slice %arg3[%mul3A_15] : memref<501760xi32, #tpu.memory_space<hbm>> -> memref<80xi32, #tpu.memory_space<hbm>>
        %dma_wait3A_35 = tpu.memref_slice %arg3[%mul3A_15] : memref<501760xi32, #tpu.memory_space<hbm>> -> memref<80xi32, #tpu.memory_space<hbm>>
        tpu.wait_dma2 semaphore(%run_scoped3A : memref<!tpu.dma_semaphore, #tpu.memory_space<semaphore_mem>>) src(%dma_wait3A_35 : memref<80xi32, #tpu.memory_space<hbm>>) dst(%arg8 : memref<80xi32, #tpu.memory_space<vmem>>)
        tpu.yield
      }) : () -> ()
      %dma_start3A = arith.constant 0 : i32
      %dma_start3A_16 = arith.constant 0 : i32
      %dma_start3A_17 = tpu.memref_slice %arg4[%dma_start3A, %dma_start3A_16] : memref<474x128xf32, #tpu.memory_space<hbm>> -> memref<474x128xf32, #tpu.memory_space<hbm>>
      tpu.enqueue_indirect_dma source(%dma_start3A_17 : memref<474x128xf32, #tpu.memory_space<hbm>>) target(%arg9 : memref<80x128xf32, #tpu.memory_space<vmem>>) offsets(%arg7 : memref<80xi32, #tpu.memory_space<vmem>>) semaphore(%arg12 : memref<!tpu.dma_semaphore, #tpu.memory_space<semaphore_mem>>)
      %dma_start3A_18 = arith.constant 0 : i32
      %dma_start3A_19 = arith.constant 0 : i32
      %dma_start3A_20 = tpu.memref_slice %arg5[%dma_start3A_18, %dma_start3A_19] : memref<50000x128xf32, #tpu.memory_space<hbm>> -> memref<50000x128xf32, #tpu.memory_space<hbm>>
      tpu.enqueue_indirect_dma source(%dma_start3A_20 : memref<50000x128xf32, #tpu.memory_space<hbm>>) target(%arg10 : memref<80x128xf32, #tpu.memory_space<vmem>>) offsets(%arg8 : memref<80xi32, #tpu.memory_space<vmem>>) semaphore(%arg13 : memref<!tpu.dma_semaphore, #tpu.memory_space<semaphore_mem>>)
      %dma_wait3A = arith.constant 0 : i32
      %dma_wait3A_21 = arith.constant 0 : i32
      %dma_wait3A_22 = tpu.memref_slice %arg4[%dma_wait3A, %dma_wait3A_21] : memref<474x128xf32, #tpu.memory_space<hbm>> -> memref<474x128xf32, #tpu.memory_space<hbm>>
      tpu.wait_indirect_dma semaphore(%arg12 : memref<!tpu.dma_semaphore, #tpu.memory_space<semaphore_mem>>) src(%dma_wait3A_22 : memref<474x128xf32, #tpu.memory_space<hbm>>) dst(%arg9 : memref<80x128xf32, #tpu.memory_space<vmem>>)
      %dma_wait3A_23 = arith.constant 0 : i32
      %dma_wait3A_24 = arith.constant 0 : i32
      %dma_wait3A_25 = tpu.memref_slice %arg5[%dma_wait3A_23, %dma_wait3A_24] : memref<50000x128xf32, #tpu.memory_space<hbm>> -> memref<50000x128xf32, #tpu.memory_space<hbm>>
      tpu.wait_indirect_dma semaphore(%arg13 : memref<!tpu.dma_semaphore, #tpu.memory_space<semaphore_mem>>) src(%dma_wait3A_25 : memref<50000x128xf32, #tpu.memory_space<hbm>>) dst(%arg10 : memref<80x128xf32, #tpu.memory_space<vmem>>)
      %scan3A_26 = arith.constant 0 : i32
      %scan3A_27 = arith.constant 0 : i32
      %scan3A_28 = arith.constant 8 : i32
      %scan3A_29 = arith.addi %scan3A_27, %scan3A_28 : i32
      %scan3A_30 = arith.constant 1 : i32
      scf.for %scan3A_32 = %scan3A_27 to %scan3A_29 step %scan3A_30  : i32 {
        %mul3A_33 = arith.constant 10 : i32
        %mul3A_34 = arith.muli %scan3A_32, %mul3A_33 : i32
        %get3A = arith.index_cast %mul3A_34 : i32 to index
        %get3A_35 = arith.constant 0 : index
        %get3A_36 = tpu.vector_load %arg9[%get3A, %get3A_35] {strides = array<i32>} : memref<80x128xf32, #tpu.memory_space<vmem>>, vector<1x16xf32>,
        %get3A_37 = vector.shape_cast %get3A_36 : vector<1x16xf32> to vector<16xf32>
        %get3A_38 = arith.index_cast %mul3A_34 : i32 to index
        %get3A_39 = arith.constant 0 : index
        %get3A_40 = tpu.vector_load %arg10[%get3A_38, %get3A_39] {strides = array<i32>} : memref<80x128xf32, #tpu.memory_space<vmem>>, vector<1x16xf32>,
        %get3A_41 = vector.shape_cast %get3A_40 : vector<1x16xf32> to vector<16xf32>
        %add3A_42 = arith.constant 1 : i32
        %add3A_43 = arith.addi %mul3A_34, %add3A_42 : i32
        %get3A_44 = arith.index_cast %add3A_43 : i32 to index
        %get3A_45 = arith.constant 0 : index
        %get3A_46 = tpu.vector_load %arg9[%get3A_44, %get3A_45] {strides = array<i32>} : memref<80x128xf32, #tpu.memory_space<vmem>>, vector<1x16xf32>,
        %get3A_47 = vector.shape_cast %get3A_46 : vector<1x16xf32> to vector<16xf32>
        %add3A_48 = arith.addf %get3A_37, %get3A_47 : vector<16xf32>
        %add3A_49 = arith.constant 1 : i32
        %add3A_50 = arith.addi %mul3A_34, %add3A_49 : i32
        %get3A_51 = arith.index_cast %add3A_50 : i32 to index
        %get3A_52 = arith.constant 0 : index
        %get3A_53 = tpu.vector_load %arg10[%get3A_51, %get3A_52] {strides = array<i32>} : memref<80x128xf32, #tpu.memory_space<vmem>>, vector<1x16xf32>,
        %get3A_54 = vector.shape_cast %get3A_53 : vector<1x16xf32> to vector<16xf32>
        %add3A_55 = arith.addf %get3A_41, %get3A_54 : vector<16xf32>
        %add3A_56 = arith.constant 2 : i32
        %add3A_57 = arith.addi %mul3A_34, %add3A_56 : i32
        %get3A_58 = arith.index_cast %add3A_57 : i32 to index
        %get3A_59 = arith.constant 0 : index
        %get3A_60 = tpu.vector_load %arg9[%get3A_58, %get3A_59] {strides = array<i32>} : memref<80x128xf32, #tpu.memory_space<vmem>>, vector<1x16xf32>,
        %get3A_61 = vector.shape_cast %get3A_60 : vector<1x16xf32> to vector<16xf32>
        %add3A_62 = arith.addf %add3A_48, %get3A_61 : vector<16xf32>
        %add3A_63 = arith.constant 2 : i32
        %add3A_64 = arith.addi %mul3A_34, %add3A_63 : i32
        %get3A_65 = arith.index_cast %add3A_64 : i32 to index
        %get3A_66 = arith.constant 0 : index
        %get3A_67 = tpu.vector_load %arg10[%get3A_65, %get3A_66] {strides = array<i32>} : memref<80x128xf32, #tpu.memory_space<vmem>>, vector<1x16xf32>,
        %get3A_68 = vector.shape_cast %get3A_67 : vector<1x16xf32> to vector<16xf32>
        %add3A_69 = arith.addf %add3A_55, %get3A_68 : vector<16xf32>
        %add3A_70 = arith.constant 3 : i32
        %add3A_71 = arith.addi %mul3A_34, %add3A_70 : i32
        %get3A_72 = arith.index_cast %add3A_71 : i32 to index
        %get3A_73 = arith.constant 0 : index
        %get3A_74 = tpu.vector_load %arg9[%get3A_72, %get3A_73] {strides = array<i32>} : memref<80x128xf32, #tpu.memory_space<vmem>>, vector<1x16xf32>,
        %get3A_75 = vector.shape_cast %get3A_74 : vector<1x16xf32> to vector<16xf32>
        %add3A_76 = arith.addf %add3A_62, %get3A_75 : vector<16xf32>
        %add3A_77 = arith.constant 3 : i32
        %add3A_78 = arith.addi %mul3A_34, %add3A_77 : i32
        %get3A_79 = arith.index_cast %add3A_78 : i32 to index
        %get3A_80 = arith.constant 0 : index
        %get3A_81 = tpu.vector_load %arg10[%get3A_79, %get3A_80] {strides = array<i32>} : memref<80x128xf32, #tpu.memory_space<vmem>>, vector<1x16xf32>,
        %get3A_82 = vector.shape_cast %get3A_81 : vector<1x16xf32> to vector<16xf32>
        %add3A_83 = arith.addf %add3A_69, %get3A_82 : vector<16xf32>
        %add3A_84 = arith.constant 4 : i32
        %add3A_85 = arith.addi %mul3A_34, %add3A_84 : i32
        %get3A_86 = arith.index_cast %add3A_85 : i32 to index
        %get3A_87 = arith.constant 0 : index
        %get3A_88 = tpu.vector_load %arg9[%get3A_86, %get3A_87] {strides = array<i32>} : memref<80x128xf32, #tpu.memory_space<vmem>>, vector<1x16xf32>,
        %get3A_89 = vector.shape_cast %get3A_88 : vector<1x16xf32> to vector<16xf32>
        %add3A_90 = arith.addf %add3A_76, %get3A_89 : vector<16xf32>
        %add3A_91 = arith.constant 4 : i32
        %add3A_92 = arith.addi %mul3A_34, %add3A_91 : i32
        %get3A_93 = arith.index_cast %add3A_92 : i32 to index
        %get3A_94 = arith.constant 0 : index
        %get3A_95 = tpu.vector_load %arg10[%get3A_93, %get3A_94] {strides = array<i32>} : memref<80x128xf32, #tpu.memory_space<vmem>>, vector<1x16xf32>,
        %get3A_96 = vector.shape_cast %get3A_95 : vector<1x16xf32> to vector<16xf32>
        %add3A_97 = arith.addf %add3A_83, %get3A_96 : vector<16xf32>
        %add3A_98 = arith.constant 5 : i32
        %add3A_99 = arith.addi %mul3A_34, %add3A_98 : i32
        %get3A_100 = arith.index_cast %add3A_99 : i32 to index
        %get3A_101 = arith.constant 0 : index
        %get3A_102 = tpu.vector_load %arg9[%get3A_100, %get3A_101] {strides = array<i32>} : memref<80x128xf32, #tpu.memory_space<vmem>>, vector<1x16xf32>,
        %get3A_103 = vector.shape_cast %get3A_102 : vector<1x16xf32> to vector<16xf32>
        %add3A_104 = arith.addf %add3A_90, %get3A_103 : vector<16xf32>
        %add3A_105 = arith.constant 5 : i32
        %add3A_106 = arith.addi %mul3A_34, %add3A_105 : i32
        %get3A_107 = arith.index_cast %add3A_106 : i32 to index
        %get3A_108 = arith.constant 0 : index
        %get3A_109 = tpu.vector_load %arg10[%get3A_107, %get3A_108] {strides = array<i32>} : memref<80x128xf32, #tpu.memory_space<vmem>>, vector<1x16xf32>,
        %get3A_110 = vector.shape_cast %get3A_109 : vector<1x16xf32> to vector<16xf32>
        %add3A_111 = arith.addf %add3A_97, %get3A_110 : vector<16xf32>
        %add3A_112 = arith.constant 6 : i32
        %add3A_113 = arith.addi %mul3A_34, %add3A_112 : i32
        %get3A_114 = arith.index_cast %add3A_113 : i32 to index
        %get3A_115 = arith.constant 0 : index
        %get3A_116 = tpu.vector_load %arg9[%get3A_114, %get3A_115] {strides = array<i32>} : memref<80x128xf32, #tpu.memory_space<vmem>>, vector<1x16xf32>,
        %get3A_117 = vector.shape_cast %get3A_116 : vector<1x16xf32> to vector<16xf32>
        %add3A_118 = arith.addf %add3A_104, %get3A_117 : vector<16xf32>
        %add3A_119 = arith.constant 6 : i32
        %add3A_120 = arith.addi %mul3A_34, %add3A_119 : i32
        %get3A_121 = arith.index_cast %add3A_120 : i32 to index
        %get3A_122 = arith.constant 0 : index
        %get3A_123 = tpu.vector_load %arg10[%get3A_121, %get3A_122] {strides = array<i32>} : memref<80x128xf32, #tpu.memory_space<vmem>>, vector<1x16xf32>,
        %get3A_124 = vector.shape_cast %get3A_123 : vector<1x16xf32> to vector<16xf32>
        %add3A_125 = arith.addf %add3A_111, %get3A_124 : vector<16xf32>
        %add3A_126 = arith.constant 7 : i32
        %add3A_127 = arith.addi %mul3A_34, %add3A_126 : i32
        %get3A_128 = arith.index_cast %add3A_127 : i32 to index
        %get3A_129 = arith.constant 0 : index
        %get3A_130 = tpu.vector_load %arg9[%get3A_128, %get3A_129] {strides = array<i32>} : memref<80x128xf32, #tpu.memory_space<vmem>>, vector<1x16xf32>,
        %get3A_131 = vector.shape_cast %get3A_130 : vector<1x16xf32> to vector<16xf32>
        %add3A_132 = arith.addf %add3A_118, %get3A_131 : vector<16xf32>
        %add3A_133 = arith.constant 7 : i32
        %add3A_134 = arith.addi %mul3A_34, %add3A_133 : i32
        %get3A_135 = arith.index_cast %add3A_134 : i32 to index
        %get3A_136 = arith.constant 0 : index
        %get3A_137 = tpu.vector_load %arg10[%get3A_135, %get3A_136] {strides = array<i32>} : memref<80x128xf32, #tpu.memory_space<vmem>>, vector<1x16xf32>,
        %get3A_138 = vector.shape_cast %get3A_137 : vector<1x16xf32> to vector<16xf32>
        %add3A_139 = arith.addf %add3A_125, %get3A_138 : vector<16xf32>
        %add3A_140 = arith.constant 8 : i32
        %add3A_141 = arith.addi %mul3A_34, %add3A_140 : i32
        %get3A_142 = arith.index_cast %add3A_141 : i32 to index
        %get3A_143 = arith.constant 0 : index
        %get3A_144 = tpu.vector_load %arg9[%get3A_142, %get3A_143] {strides = array<i32>} : memref<80x128xf32, #tpu.memory_space<vmem>>, vector<1x16xf32>,
        %get3A_145 = vector.shape_cast %get3A_144 : vector<1x16xf32> to vector<16xf32>
        %add3A_146 = arith.addf %add3A_132, %get3A_145 : vector<16xf32>
        %add3A_147 = arith.constant 8 : i32
        %add3A_148 = arith.addi %mul3A_34, %add3A_147 : i32
        %get3A_149 = arith.index_cast %add3A_148 : i32 to index
        %get3A_150 = arith.constant 0 : index
        %get3A_151 = tpu.vector_load %arg10[%get3A_149, %get3A_150] {strides = array<i32>} : memref<80x128xf32, #tpu.memory_space<vmem>>, vector<1x16xf32>,
        %get3A_152 = vector.shape_cast %get3A_151 : vector<1x16xf32> to vector<16xf32>
        %add3A_153 = arith.addf %add3A_139, %get3A_152 : vector<16xf32>
        %add3A_154 = arith.constant 9 : i32
        %add3A_155 = arith.addi %mul3A_34, %add3A_154 : i32
        %get3A_156 = arith.index_cast %add3A_155 : i32 to index
        %get3A_157 = arith.constant 0 : index
        %get3A_158 = tpu.vector_load %arg9[%get3A_156, %get3A_157] {strides = array<i32>} : memref<80x128xf32, #tpu.memory_space<vmem>>, vector<1x16xf32>,
        %get3A_159 = vector.shape_cast %get3A_158 : vector<1x16xf32> to vector<16xf32>
        %add3A_160 = arith.addf %add3A_146, %get3A_159 : vector<16xf32>
        %add3A_161 = arith.constant 9 : i32
        %add3A_162 = arith.addi %mul3A_34, %add3A_161 : i32
        %get3A_163 = arith.index_cast %add3A_162 : i32 to index
        %get3A_164 = arith.constant 0 : index
        %get3A_165 = tpu.vector_load %arg10[%get3A_163, %get3A_164] {strides = array<i32>} : memref<80x128xf32, #tpu.memory_space<vmem>>, vector<1x16xf32>,
        %get3A_166 = vector.shape_cast %get3A_165 : vector<1x16xf32> to vector<16xf32>
        %add3A_167 = arith.addf %add3A_153, %get3A_166 : vector<16xf32>
        %swap3A = arith.index_cast %scan3A_32 : i32 to index
        %swap3A_168 = arith.constant 0 : index
        %swap3A_169 = tpu.vector_load %arg11[%swap3A, %swap3A_168] {strides = array<i32>} : memref<8x256xf32, #tpu.memory_space<vmem>>, vector<1x16xf32>,
        %swap3A_170 = vector.shape_cast %swap3A_169 : vector<1x16xf32> to vector<16xf32>
        %swap3A_171 = vector.shape_cast %add3A_160 : vector<16xf32> to vector<1x16xf32>
        tpu.vector_store %arg11[%swap3A, %swap3A_168], %swap3A_171 {strides = array<i32>} : memref<8x256xf32, #tpu.memory_space<vmem>>, vector<1x16xf32>,
        %swap3A_172 = arith.index_cast %scan3A_32 : i32 to index
        %swap3A_173 = arith.constant 128 : index
        %swap3A_174 = tpu.vector_load %arg11[%swap3A_172, %swap3A_173] {strides = array<i32>} : memref<8x256xf32, #tpu.memory_space<vmem>>, vector<1x16xf32>,
        %swap3A_175 = vector.shape_cast %swap3A_174 : vector<1x16xf32> to vector<16xf32>
        %swap3A_176 = vector.shape_cast %add3A_167 : vector<16xf32> to vector<1x16xf32>
        tpu.vector_store %arg11[%swap3A_172, %swap3A_173], %swap3A_176 {strides = array<i32>} : memref<8x256xf32, #tpu.memory_space<vmem>>, vector<1x16xf32>,
        %get3A_177 = arith.index_cast %mul3A_34 : i32 to index
        %get3A_178 = arith.constant 16 : index
        %get3A_179 = tpu.vector_load %arg9[%get3A_177, %get3A_178] {strides = array<i32>} : memref<80x128xf32, #tpu.memory_space<vmem>>, vector<1x16xf32>,
        %get3A_180 = vector.shape_cast %get3A_179 : vector<1x16xf32> to vector<16xf32>
        %get3A_181 = arith.index_cast %mul3A_34 : i32 to index
        %get3A_182 = arith.constant 16 : index
        %get3A_183 = tpu.vector_load %arg10[%get3A_181, %get3A_182] {strides = array<i32>} : memref<80x128xf32, #tpu.memory_space<vmem>>, vector<1x16xf32>,
        %get3A_184 = vector.shape_cast %get3A_183 : vector<1x16xf32> to vector<16xf32>
        %add3A_185 = arith.constant 1 : i32
        %add3A_186 = arith.addi %mul3A_34, %add3A_185 : i32
        %get3A_187 = arith.index_cast %add3A_186 : i32 to index
        %get3A_188 = arith.constant 16 : index
        %get3A_189 = tpu.vector_load %arg9[%get3A_187, %get3A_188] {strides = array<i32>} : memref<80x128xf32, #tpu.memory_space<vmem>>, vector<1x16xf32>,
        %get3A_190 = vector.shape_cast %get3A_189 : vector<1x16xf32> to vector<16xf32>
        %add3A_191 = arith.addf %get3A_180, %get3A_190 : vector<16xf32>
        %add3A_192 = arith.constant 1 : i32
        %add3A_193 = arith.addi %mul3A_34, %add3A_192 : i32
        %get3A_194 = arith.index_cast %add3A_193 : i32 to index
        %get3A_195 = arith.constant 16 : index
        %get3A_196 = tpu.vector_load %arg10[%get3A_194, %get3A_195] {strides = array<i32>} : memref<80x128xf32, #tpu.memory_space<vmem>>, vector<1x16xf32>,
        %get3A_197 = vector.shape_cast %get3A_196 : vector<1x16xf32> to vector<16xf32>
        %add3A_198 = arith.addf %get3A_184, %get3A_197 : vector<16xf32>
        %add3A_199 = arith.constant 2 : i32
        %add3A_200 = arith.addi %mul3A_34, %add3A_199 : i32
        %get3A_201 = arith.index_cast %add3A_200 : i32 to index
        %get3A_202 = arith.constant 16 : index
        %get3A_203 = tpu.vector_load %arg9[%get3A_201, %get3A_202] {strides = array<i32>} : memref<80x128xf32, #tpu.memory_space<vmem>>, vector<1x16xf32>,
        %get3A_204 = vector.shape_cast %get3A_203 : vector<1x16xf32> to vector<16xf32>
        %add3A_205 = arith.addf %add3A_191, %get3A_204 : vector<16xf32>
        %add3A_206 = arith.constant 2 : i32
        %add3A_207 = arith.addi %mul3A_34, %add3A_206 : i32
        %get3A_208 = arith.index_cast %add3A_207 : i32 to index
        %get3A_209 = arith.constant 16 : index
        %get3A_210 = tpu.vector_load %arg10[%get3A_208, %get3A_209] {strides = array<i32>} : memref<80x128xf32, #tpu.memory_space<vmem>>, vector<1x16xf32>,
        %get3A_211 = vector.shape_cast %get3A_210 : vector<1x16xf32> to vector<16xf32>
        %add3A_212 = arith.addf %add3A_198, %get3A_211 : vector<16xf32>
        %add3A_213 = arith.constant 3 : i32
        %add3A_214 = arith.addi %mul3A_34, %add3A_213 : i32
        %get3A_215 = arith.index_cast %add3A_214 : i32 to index
        %get3A_216 = arith.constant 16 : index
        %get3A_217 = tpu.vector_load %arg9[%get3A_215, %get3A_216] {strides = array<i32>} : memref<80x128xf32, #tpu.memory_space<vmem>>, vector<1x16xf32>,
        %get3A_218 = vector.shape_cast %get3A_217 : vector<1x16xf32> to vector<16xf32>
        %add3A_219 = arith.addf %add3A_205, %get3A_218 : vector<16xf32>
        %add3A_220 = arith.constant 3 : i32
        %add3A_221 = arith.addi %mul3A_34, %add3A_220 : i32
        %get3A_222 = arith.index_cast %add3A_221 : i32 to index
        %get3A_223 = arith.constant 16 : index
        %get3A_224 = tpu.vector_load %arg10[%get3A_222, %get3A_223] {strides = array<i32>} : memref<80x128xf32, #tpu.memory_space<vmem>>, vector<1x16xf32>,
        %get3A_225 = vector.shape_cast %get3A_224 : vector<1x16xf32> to vector<16xf32>
        %add3A_226 = arith.addf %add3A_212, %get3A_225 : vector<16xf32>
        %add3A_227 = arith.constant 4 : i32
        %add3A_228 = arith.addi %mul3A_34, %add3A_227 : i32
        %get3A_229 = arith.index_cast %add3A_228 : i32 to index
        %get3A_230 = arith.constant 16 : index
        %get3A_231 = tpu.vector_load %arg9[%get3A_229, %get3A_230] {strides = array<i32>} : memref<80x128xf32, #tpu.memory_space<vmem>>, vector<1x16xf32>,
        %get3A_232 = vector.shape_cast %get3A_231 : vector<1x16xf32> to vector<16xf32>
        %add3A_233 = arith.addf %add3A_219, %get3A_232 : vector<16xf32>
        %add3A_234 = arith.constant 4 : i32
        %add3A_235 = arith.addi %mul3A_34, %add3A_234 : i32
        %get3A_236 = arith.index_cast %add3A_235 : i32 to index
        %get3A_237 = arith.constant 16 : index
        %get3A_238 = tpu.vector_load %arg10[%get3A_236, %get3A_237] {strides = array<i32>} : memref<80x128xf32, #tpu.memory_space<vmem>>, vector<1x16xf32>,
        %get3A_239 = vector.shape_cast %get3A_238 : vector<1x16xf32> to vector<16xf32>
        %add3A_240 = arith.addf %add3A_226, %get3A_239 : vector<16xf32>
        %add3A_241 = arith.constant 5 : i32
        %add3A_242 = arith.addi %mul3A_34, %add3A_241 : i32
        %get3A_243 = arith.index_cast %add3A_242 : i32 to index
        %get3A_244 = arith.constant 16 : index
        %get3A_245 = tpu.vector_load %arg9[%get3A_243, %get3A_244] {strides = array<i32>} : memref<80x128xf32, #tpu.memory_space<vmem>>, vector<1x16xf32>,
        %get3A_246 = vector.shape_cast %get3A_245 : vector<1x16xf32> to vector<16xf32>
        %add3A_247 = arith.addf %add3A_233, %get3A_246 : vector<16xf32>
        %add3A_248 = arith.constant 5 : i32
        %add3A_249 = arith.addi %mul3A_34, %add3A_248 : i32
        %get3A_250 = arith.index_cast %add3A_249 : i32 to index
        %get3A_251 = arith.constant 16 : index
        %get3A_252 = tpu.vector_load %arg10[%get3A_250, %get3A_251] {strides = array<i32>} : memref<80x128xf32, #tpu.memory_space<vmem>>, vector<1x16xf32>,
        %get3A_253 = vector.shape_cast %get3A_252 : vector<1x16xf32> to vector<16xf32>
        %add3A_254 = arith.addf %add3A_240, %get3A_253 : vector<16xf32>
        %add3A_255 = arith.constant 6 : i32
        %add3A_256 = arith.addi %mul3A_34, %add3A_255 : i32
        %get3A_257 = arith.index_cast %add3A_256 : i32 to index
        %get3A_258 = arith.constant 16 : index
        %get3A_259 = tpu.vector_load %arg9[%get3A_257, %get3A_258] {strides = array<i32>} : memref<80x128xf32, #tpu.memory_space<vmem>>, vector<1x16xf32>,
        %get3A_260 = vector.shape_cast %get3A_259 : vector<1x16xf32> to vector<16xf32>
        %add3A_261 = arith.addf %add3A_247, %get3A_260 : vector<16xf32>
        %add3A_262 = arith.constant 6 : i32
        %add3A_263 = arith.addi %mul3A_34, %add3A_262 : i32
        %get3A_264 = arith.index_cast %add3A_263 : i32 to index
        %get3A_265 = arith.constant 16 : index
        %get3A_266 = tpu.vector_load %arg10[%get3A_264, %get3A_265] {strides = array<i32>} : memref<80x128xf32, #tpu.memory_space<vmem>>, vector<1x16xf32>,
        %get3A_267 = vector.shape_cast %get3A_266 : vector<1x16xf32> to vector<16xf32>
        %add3A_268 = arith.addf %add3A_254, %get3A_267 : vector<16xf32>
        %add3A_269 = arith.constant 7 : i32
        %add3A_270 = arith.addi %mul3A_34, %add3A_269 : i32
        %get3A_271 = arith.index_cast %add3A_270 : i32 to index
        %get3A_272 = arith.constant 16 : index
        %get3A_273 = tpu.vector_load %arg9[%get3A_271, %get3A_272] {strides = array<i32>} : memref<80x128xf32, #tpu.memory_space<vmem>>, vector<1x16xf32>,
        %get3A_274 = vector.shape_cast %get3A_273 : vector<1x16xf32> to vector<16xf32>
        %add3A_275 = arith.addf %add3A_261, %get3A_274 : vector<16xf32>
        %add3A_276 = arith.constant 7 : i32
        %add3A_277 = arith.addi %mul3A_34, %add3A_276 : i32
        %get3A_278 = arith.index_cast %add3A_277 : i32 to index
        %get3A_279 = arith.constant 16 : index
        %get3A_280 = tpu.vector_load %arg10[%get3A_278, %get3A_279] {strides = array<i32>} : memref<80x128xf32, #tpu.memory_space<vmem>>, vector<1x16xf32>,
        %get3A_281 = vector.shape_cast %get3A_280 : vector<1x16xf32> to vector<16xf32>
        %add3A_282 = arith.addf %add3A_268, %get3A_281 : vector<16xf32>
        %add3A_283 = arith.constant 8 : i32
        %add3A_284 = arith.addi %mul3A_34, %add3A_283 : i32
        %get3A_285 = arith.index_cast %add3A_284 : i32 to index
        %get3A_286 = arith.constant 16 : index
        %get3A_287 = tpu.vector_load %arg9[%get3A_285, %get3A_286] {strides = array<i32>} : memref<80x128xf32, #tpu.memory_space<vmem>>, vector<1x16xf32>,
        %get3A_288 = vector.shape_cast %get3A_287 : vector<1x16xf32> to vector<16xf32>
        %add3A_289 = arith.addf %add3A_275, %get3A_288 : vector<16xf32>
        %add3A_290 = arith.constant 8 : i32
        %add3A_291 = arith.addi %mul3A_34, %add3A_290 : i32
        %get3A_292 = arith.index_cast %add3A_291 : i32 to index
        %get3A_293 = arith.constant 16 : index
        %get3A_294 = tpu.vector_load %arg10[%get3A_292, %get3A_293] {strides = array<i32>} : memref<80x128xf32, #tpu.memory_space<vmem>>, vector<1x16xf32>,
        %get3A_295 = vector.shape_cast %get3A_294 : vector<1x16xf32> to vector<16xf32>
        %add3A_296 = arith.addf %add3A_282, %get3A_295 : vector<16xf32>
        %add3A_297 = arith.constant 9 : i32
        %add3A_298 = arith.addi %mul3A_34, %add3A_297 : i32
        %get3A_299 = arith.index_cast %add3A_298 : i32 to index
        %get3A_300 = arith.constant 16 : index
        %get3A_301 = tpu.vector_load %arg9[%get3A_299, %get3A_300] {strides = array<i32>} : memref<80x128xf32, #tpu.memory_space<vmem>>, vector<1x16xf32>,
        %get3A_302 = vector.shape_cast %get3A_301 : vector<1x16xf32> to vector<16xf32>
        %add3A_303 = arith.addf %add3A_289, %get3A_302 : vector<16xf32>
        %add3A_304 = arith.constant 9 : i32
        %add3A_305 = arith.addi %mul3A_34, %add3A_304 : i32
        %get3A_306 = arith.index_cast %add3A_305 : i32 to index
        %get3A_307 = arith.constant 16 : index
        %get3A_308 = tpu.vector_load %arg10[%get3A_306, %get3A_307] {strides = array<i32>} : memref<80x128xf32, #tpu.memory_space<vmem>>, vector<1x16xf32>,
        %get3A_309 = vector.shape_cast %get3A_308 : vector<1x16xf32> to vector<16xf32>
        %add3A_310 = arith.addf %add3A_296, %get3A_309 : vector<16xf32>
        %swap3A_311 = arith.index_cast %scan3A_32 : i32 to index
        %swap3A_312 = arith.constant 16 : index
        %swap3A_313 = tpu.vector_load %arg11[%swap3A_311, %swap3A_312] {strides = array<i32>} : memref<8x256xf32, #tpu.memory_space<vmem>>, vector<1x16xf32>,
        %swap3A_314 = vector.shape_cast %swap3A_313 : vector<1x16xf32> to vector<16xf32>
        %swap3A_315 = vector.shape_cast %add3A_303 : vector<16xf32> to vector<1x16xf32>
        tpu.vector_store %arg11[%swap3A_311, %swap3A_312], %swap3A_315 {strides = array<i32>} : memref<8x256xf32, #tpu.memory_space<vmem>>, vector<1x16xf32>,
        %swap3A_316 = arith.index_cast %scan3A_32 : i32 to index
        %swap3A_317 = arith.constant 144 : index
        %swap3A_318 = tpu.vector_load %arg11[%swap3A_316, %swap3A_317] {strides = array<i32>} : memref<8x256xf32, #tpu.memory_space<vmem>>, vector<1x16xf32>,
        %swap3A_319 = vector.shape_cast %swap3A_318 : vector<1x16xf32> to vector<16xf32>
        %swap3A_320 = vector.shape_cast %add3A_310 : vector<16xf32> to vector<1x16xf32>
        tpu.vector_store %arg11[%swap3A_316, %swap3A_317], %swap3A_320 {strides = array<i32>} : memref<8x256xf32, #tpu.memory_space<vmem>>, vector<1x16xf32>,
        %get3A_321 = arith.index_cast %mul3A_34 : i32 to index
        %get3A_322 = arith.constant 32 : index
        %get3A_323 = tpu.vector_load %arg9[%get3A_321, %get3A_322] {strides = array<i32>} : memref<80x128xf32, #tpu.memory_space<vmem>>, vector<1x16xf32>,
        %get3A_324 = vector.shape_cast %get3A_323 : vector<1x16xf32> to vector<16xf32>
        %get3A_325 = arith.index_cast %mul3A_34 : i32 to index
        %get3A_326 = arith.constant 32 : index
        %get3A_327 = tpu.vector_load %arg10[%get3A_325, %get3A_326] {strides = array<i32>} : memref<80x128xf32, #tpu.memory_space<vmem>>, vector<1x16xf32>,
        %get3A_328 = vector.shape_cast %get3A_327 : vector<1x16xf32> to vector<16xf32>
        %add3A_329 = arith.constant 1 : i32
        %add3A_330 = arith.addi %mul3A_34, %add3A_329 : i32
        %get3A_331 = arith.index_cast %add3A_330 : i32 to index
        %get3A_332 = arith.constant 32 : index
        %get3A_333 = tpu.vector_load %arg9[%get3A_331, %get3A_332] {strides = array<i32>} : memref<80x128xf32, #tpu.memory_space<vmem>>, vector<1x16xf32>,
        %get3A_334 = vector.shape_cast %get3A_333 : vector<1x16xf32> to vector<16xf32>
        %add3A_335 = arith.addf %get3A_324, %get3A_334 : vector<16xf32>
        %add3A_336 = arith.constant 1 : i32
        %add3A_337 = arith.addi %mul3A_34, %add3A_336 : i32
        %get3A_338 = arith.index_cast %add3A_337 : i32 to index
        %get3A_339 = arith.constant 32 : index
        %get3A_340 = tpu.vector_load %arg10[%get3A_338, %get3A_339] {strides = array<i32>} : memref<80x128xf32, #tpu.memory_space<vmem>>, vector<1x16xf32>,
        %get3A_341 = vector.shape_cast %get3A_340 : vector<1x16xf32> to vector<16xf32>
        %add3A_342 = arith.addf %get3A_328, %get3A_341 : vector<16xf32>
        %add3A_343 = arith.constant 2 : i32
        %add3A_344 = arith.addi %mul3A_34, %add3A_343 : i32
        %get3A_345 = arith.index_cast %add3A_344 : i32 to index
        %get3A_346 = arith.constant 32 : index
        %get3A_347 = tpu.vector_load %arg9[%get3A_345, %get3A_346] {strides = array<i32>} : memref<80x128xf32, #tpu.memory_space<vmem>>, vector<1x16xf32>,
        %get3A_348 = vector.shape_cast %get3A_347 : vector<1x16xf32> to vector<16xf32>
        %add3A_349 = arith.addf %add3A_335, %get3A_348 : vector<16xf32>
        %add3A_350 = arith.constant 2 : i32
        %add3A_351 = arith.addi %mul3A_34, %add3A_350 : i32
        %get3A_352 = arith.index_cast %add3A_351 : i32 to index
        %get3A_353 = arith.constant 32 : index
        %get3A_354 = tpu.vector_load %arg10[%get3A_352, %get3A_353] {strides = array<i32>} : memref<80x128xf32, #tpu.memory_space<vmem>>, vector<1x16xf32>,
        %get3A_355 = vector.shape_cast %get3A_354 : vector<1x16xf32> to vector<16xf32>
        %add3A_356 = arith.addf %add3A_342, %get3A_355 : vector<16xf32>
        %add3A_357 = arith.constant 3 : i32
        %add3A_358 = arith.addi %mul3A_34, %add3A_357 : i32
        %get3A_359 = arith.index_cast %add3A_358 : i32 to index
        %get3A_360 = arith.constant 32 : index
        %get3A_361 = tpu.vector_load %arg9[%get3A_359, %get3A_360] {strides = array<i32>} : memref<80x128xf32, #tpu.memory_space<vmem>>, vector<1x16xf32>,
        %get3A_362 = vector.shape_cast %get3A_361 : vector<1x16xf32> to vector<16xf32>
        %add3A_363 = arith.addf %add3A_349, %get3A_362 : vector<16xf32>
        %add3A_364 = arith.constant 3 : i32
        %add3A_365 = arith.addi %mul3A_34, %add3A_364 : i32
        %get3A_366 = arith.index_cast %add3A_365 : i32 to index
        %get3A_367 = arith.constant 32 : index
        %get3A_368 = tpu.vector_load %arg10[%get3A_366, %get3A_367] {strides = array<i32>} : memref<80x128xf32, #tpu.memory_space<vmem>>, vector<1x16xf32>,
        %get3A_369 = vector.shape_cast %get3A_368 : vector<1x16xf32> to vector<16xf32>
        %add3A_370 = arith.addf %add3A_356, %get3A_369 : vector<16xf32>
        %add3A_371 = arith.constant 4 : i32
        %add3A_372 = arith.addi %mul3A_34, %add3A_371 : i32
        %get3A_373 = arith.index_cast %add3A_372 : i32 to index
        %get3A_374 = arith.constant 32 : index
        %get3A_375 = tpu.vector_load %arg9[%get3A_373, %get3A_374] {strides = array<i32>} : memref<80x128xf32, #tpu.memory_space<vmem>>, vector<1x16xf32>,
        %get3A_376 = vector.shape_cast %get3A_375 : vector<1x16xf32> to vector<16xf32>
        %add3A_377 = arith.addf %add3A_363, %get3A_376 : vector<16xf32>
        %add3A_378 = arith.constant 4 : i32
        %add3A_379 = arith.addi %mul3A_34, %add3A_378 : i32
        %get3A_380 = arith.index_cast %add3A_379 : i32 to index
        %get3A_381 = arith.constant 32 : index
        %get3A_382 = tpu.vector_load %arg10[%get3A_380, %get3A_381] {strides = array<i32>} : memref<80x128xf32, #tpu.memory_space<vmem>>, vector<1x16xf32>,
        %get3A_383 = vector.shape_cast %get3A_382 : vector<1x16xf32> to vector<16xf32>
        %add3A_384 = arith.addf %add3A_370, %get3A_383 : vector<16xf32>
        %add3A_385 = arith.constant 5 : i32
        %add3A_386 = arith.addi %mul3A_34, %add3A_385 : i32
        %get3A_387 = arith.index_cast %add3A_386 : i32 to index
        %get3A_388 = arith.constant 32 : index
        %get3A_389 = tpu.vector_load %arg9[%get3A_387, %get3A_388] {strides = array<i32>} : memref<80x128xf32, #tpu.memory_space<vmem>>, vector<1x16xf32>,
        %get3A_390 = vector.shape_cast %get3A_389 : vector<1x16xf32> to vector<16xf32>
        %add3A_391 = arith.addf %add3A_377, %get3A_390 : vector<16xf32>
        %add3A_392 = arith.constant 5 : i32
        %add3A_393 = arith.addi %mul3A_34, %add3A_392 : i32
        %get3A_394 = arith.index_cast %add3A_393 : i32 to index
        %get3A_395 = arith.constant 32 : index
        %get3A_396 = tpu.vector_load %arg10[%get3A_394, %get3A_395] {strides = array<i32>} : memref<80x128xf32, #tpu.memory_space<vmem>>, vector<1x16xf32>,
        %get3A_397 = vector.shape_cast %get3A_396 : vector<1x16xf32> to vector<16xf32>
        %add3A_398 = arith.addf %add3A_384, %get3A_397 : vector<16xf32>
        %add3A_399 = arith.constant 6 : i32
        %add3A_400 = arith.addi %mul3A_34, %add3A_399 : i32
        %get3A_401 = arith.index_cast %add3A_400 : i32 to index
        %get3A_402 = arith.constant 32 : index
        %get3A_403 = tpu.vector_load %arg9[%get3A_401, %get3A_402] {strides = array<i32>} : memref<80x128xf32, #tpu.memory_space<vmem>>, vector<1x16xf32>,
        %get3A_404 = vector.shape_cast %get3A_403 : vector<1x16xf32> to vector<16xf32>
        %add3A_405 = arith.addf %add3A_391, %get3A_404 : vector<16xf32>
        %add3A_406 = arith.constant 6 : i32
        %add3A_407 = arith.addi %mul3A_34, %add3A_406 : i32
        %get3A_408 = arith.index_cast %add3A_407 : i32 to index
        %get3A_409 = arith.constant 32 : index
        %get3A_410 = tpu.vector_load %arg10[%get3A_408, %get3A_409] {strides = array<i32>} : memref<80x128xf32, #tpu.memory_space<vmem>>, vector<1x16xf32>,
        %get3A_411 = vector.shape_cast %get3A_410 : vector<1x16xf32> to vector<16xf32>
        %add3A_412 = arith.addf %add3A_398, %get3A_411 : vector<16xf32>
        %add3A_413 = arith.constant 7 : i32
        %add3A_414 = arith.addi %mul3A_34, %add3A_413 : i32
        %get3A_415 = arith.index_cast %add3A_414 : i32 to index
        %get3A_416 = arith.constant 32 : index
        %get3A_417 = tpu.vector_load %arg9[%get3A_415, %get3A_416] {strides = array<i32>} : memref<80x128xf32, #tpu.memory_space<vmem>>, vector<1x16xf32>,
        %get3A_418 = vector.shape_cast %get3A_417 : vector<1x16xf32> to vector<16xf32>
        %add3A_419 = arith.addf %add3A_405, %get3A_418 : vector<16xf32>
        %add3A_420 = arith.constant 7 : i32
        %add3A_421 = arith.addi %mul3A_34, %add3A_420 : i32
        %get3A_422 = arith.index_cast %add3A_421 : i32 to index
        %get3A_423 = arith.constant 32 : index
        %get3A_424 = tpu.vector_load %arg10[%get3A_422, %get3A_423] {strides = array<i32>} : memref<80x128xf32, #tpu.memory_space<vmem>>, vector<1x16xf32>,
        %get3A_425 = vector.shape_cast %get3A_424 : vector<1x16xf32> to vector<16xf32>
        %add3A_426 = arith.addf %add3A_412, %get3A_425 : vector<16xf32>
        %add3A_427 = arith.constant 8 : i32
        %add3A_428 = arith.addi %mul3A_34, %add3A_427 : i32
        %get3A_429 = arith.index_cast %add3A_428 : i32 to index
        %get3A_430 = arith.constant 32 : index
        %get3A_431 = tpu.vector_load %arg9[%get3A_429, %get3A_430] {strides = array<i32>} : memref<80x128xf32, #tpu.memory_space<vmem>>, vector<1x16xf32>,
        %get3A_432 = vector.shape_cast %get3A_431 : vector<1x16xf32> to vector<16xf32>
        %add3A_433 = arith.addf %add3A_419, %get3A_432 : vector<16xf32>
        %add3A_434 = arith.constant 8 : i32
        %add3A_435 = arith.addi %mul3A_34, %add3A_434 : i32
        %get3A_436 = arith.index_cast %add3A_435 : i32 to index
        %get3A_437 = arith.constant 32 : index
        %get3A_438 = tpu.vector_load %arg10[%get3A_436, %get3A_437] {strides = array<i32>} : memref<80x128xf32, #tpu.memory_space<vmem>>, vector<1x16xf32>,
        %get3A_439 = vector.shape_cast %get3A_438 : vector<1x16xf32> to vector<16xf32>
        %add3A_440 = arith.addf %add3A_426, %get3A_439 : vector<16xf32>
        %add3A_441 = arith.constant 9 : i32
        %add3A_442 = arith.addi %mul3A_34, %add3A_441 : i32
        %get3A_443 = arith.index_cast %add3A_442 : i32 to index
        %get3A_444 = arith.constant 32 : index
        %get3A_445 = tpu.vector_load %arg9[%get3A_443, %get3A_444] {strides = array<i32>} : memref<80x128xf32, #tpu.memory_space<vmem>>, vector<1x16xf32>,
        %get3A_446 = vector.shape_cast %get3A_445 : vector<1x16xf32> to vector<16xf32>
        %add3A_447 = arith.addf %add3A_433, %get3A_446 : vector<16xf32>
        %add3A_448 = arith.constant 9 : i32
        %add3A_449 = arith.addi %mul3A_34, %add3A_448 : i32
        %get3A_450 = arith.index_cast %add3A_449 : i32 to index
        %get3A_451 = arith.constant 32 : index
        %get3A_452 = tpu.vector_load %arg10[%get3A_450, %get3A_451] {strides = array<i32>} : memref<80x128xf32, #tpu.memory_space<vmem>>, vector<1x16xf32>,
        %get3A_453 = vector.shape_cast %get3A_452 : vector<1x16xf32> to vector<16xf32>
        %add3A_454 = arith.addf %add3A_440, %get3A_453 : vector<16xf32>
        %swap3A_455 = arith.index_cast %scan3A_32 : i32 to index
        %swap3A_456 = arith.constant 32 : index
        %swap3A_457 = tpu.vector_load %arg11[%swap3A_455, %swap3A_456] {strides = array<i32>} : memref<8x256xf32, #tpu.memory_space<vmem>>, vector<1x16xf32>,
        %swap3A_458 = vector.shape_cast %swap3A_457 : vector<1x16xf32> to vector<16xf32>
        %swap3A_459 = vector.shape_cast %add3A_447 : vector<16xf32> to vector<1x16xf32>
        tpu.vector_store %arg11[%swap3A_455, %swap3A_456], %swap3A_459 {strides = array<i32>} : memref<8x256xf32, #tpu.memory_space<vmem>>, vector<1x16xf32>,
        %swap3A_460 = arith.index_cast %scan3A_32 : i32 to index
        %swap3A_461 = arith.constant 160 : index
        %swap3A_462 = tpu.vector_load %arg11[%swap3A_460, %swap3A_461] {strides = array<i32>} : memref<8x256xf32, #tpu.memory_space<vmem>>, vector<1x16xf32>,
        %swap3A_463 = vector.shape_cast %swap3A_462 : vector<1x16xf32> to vector<16xf32>
        %swap3A_464 = vector.shape_cast %add3A_454 : vector<16xf32> to vector<1x16xf32>
        tpu.vector_store %arg11[%swap3A_460, %swap3A_461], %swap3A_464 {strides = array<i32>} : memref<8x256xf32, #tpu.memory_space<vmem>>, vector<1x16xf32>,
        %get3A_465 = arith.index_cast %mul3A_34 : i32 to index
        %get3A_466 = arith.constant 48 : index
        %get3A_467 = tpu.vector_load %arg9[%get3A_465, %get3A_466] {strides = array<i32>} : memref<80x128xf32, #tpu.memory_space<vmem>>, vector<1x16xf32>,
        %get3A_468 = vector.shape_cast %get3A_467 : vector<1x16xf32> to vector<16xf32>
        %get3A_469 = arith.index_cast %mul3A_34 : i32 to index
        %get3A_470 = arith.constant 48 : index
        %get3A_471 = tpu.vector_load %arg10[%get3A_469, %get3A_470] {strides = array<i32>} : memref<80x128xf32, #tpu.memory_space<vmem>>, vector<1x16xf32>,
        %get3A_472 = vector.shape_cast %get3A_471 : vector<1x16xf32> to vector<16xf32>
        %add3A_473 = arith.constant 1 : i32
        %add3A_474 = arith.addi %mul3A_34, %add3A_473 : i32
        %get3A_475 = arith.index_cast %add3A_474 : i32 to index
        %get3A_476 = arith.constant 48 : index
        %get3A_477 = tpu.vector_load %arg9[%get3A_475, %get3A_476] {strides = array<i32>} : memref<80x128xf32, #tpu.memory_space<vmem>>, vector<1x16xf32>,
        %get3A_478 = vector.shape_cast %get3A_477 : vector<1x16xf32> to vector<16xf32>
        %add3A_479 = arith.addf %get3A_468, %get3A_478 : vector<16xf32>
        %add3A_480 = arith.constant 1 : i32
        %add3A_481 = arith.addi %mul3A_34, %add3A_480 : i32
        %get3A_482 = arith.index_cast %add3A_481 : i32 to index
        %get3A_483 = arith.constant 48 : index
        %get3A_484 = tpu.vector_load %arg10[%get3A_482, %get3A_483] {strides = array<i32>} : memref<80x128xf32, #tpu.memory_space<vmem>>, vector<1x16xf32>,
        %get3A_485 = vector.shape_cast %get3A_484 : vector<1x16xf32> to vector<16xf32>
        %add3A_486 = arith.addf %get3A_472, %get3A_485 : vector<16xf32>
        %add3A_487 = arith.constant 2 : i32
        %add3A_488 = arith.addi %mul3A_34, %add3A_487 : i32
        %get3A_489 = arith.index_cast %add3A_488 : i32 to index
        %get3A_490 = arith.constant 48 : index
        %get3A_491 = tpu.vector_load %arg9[%get3A_489, %get3A_490] {strides = array<i32>} : memref<80x128xf32, #tpu.memory_space<vmem>>, vector<1x16xf32>,
        %get3A_492 = vector.shape_cast %get3A_491 : vector<1x16xf32> to vector<16xf32>
        %add3A_493 = arith.addf %add3A_479, %get3A_492 : vector<16xf32>
        %add3A_494 = arith.constant 2 : i32
        %add3A_495 = arith.addi %mul3A_34, %add3A_494 : i32
        %get3A_496 = arith.index_cast %add3A_495 : i32 to index
        %get3A_497 = arith.constant 48 : index
        %get3A_498 = tpu.vector_load %arg10[%get3A_496, %get3A_497] {strides = array<i32>} : memref<80x128xf32, #tpu.memory_space<vmem>>, vector<1x16xf32>,
        %get3A_499 = vector.shape_cast %get3A_498 : vector<1x16xf32> to vector<16xf32>
        %add3A_500 = arith.addf %add3A_486, %get3A_499 : vector<16xf32>
        %add3A_501 = arith.constant 3 : i32
        %add3A_502 = arith.addi %mul3A_34, %add3A_501 : i32
        %get3A_503 = arith.index_cast %add3A_502 : i32 to index
        %get3A_504 = arith.constant 48 : index
        %get3A_505 = tpu.vector_load %arg9[%get3A_503, %get3A_504] {strides = array<i32>} : memref<80x128xf32, #tpu.memory_space<vmem>>, vector<1x16xf32>,
        %get3A_506 = vector.shape_cast %get3A_505 : vector<1x16xf32> to vector<16xf32>
        %add3A_507 = arith.addf %add3A_493, %get3A_506 : vector<16xf32>
        %add3A_508 = arith.constant 3 : i32
        %add3A_509 = arith.addi %mul3A_34, %add3A_508 : i32
        %get3A_510 = arith.index_cast %add3A_509 : i32 to index
        %get3A_511 = arith.constant 48 : index
        %get3A_512 = tpu.vector_load %arg10[%get3A_510, %get3A_511] {strides = array<i32>} : memref<80x128xf32, #tpu.memory_space<vmem>>, vector<1x16xf32>,
        %get3A_513 = vector.shape_cast %get3A_512 : vector<1x16xf32> to vector<16xf32>
        %add3A_514 = arith.addf %add3A_500, %get3A_513 : vector<16xf32>
        %add3A_515 = arith.constant 4 : i32
        %add3A_516 = arith.addi %mul3A_34, %add3A_515 : i32
        %get3A_517 = arith.index_cast %add3A_516 : i32 to index
        %get3A_518 = arith.constant 48 : index
        %get3A_519 = tpu.vector_load %arg9[%get3A_517, %get3A_518] {strides = array<i32>} : memref<80x128xf32, #tpu.memory_space<vmem>>, vector<1x16xf32>,
        %get3A_520 = vector.shape_cast %get3A_519 : vector<1x16xf32> to vector<16xf32>
        %add3A_521 = arith.addf %add3A_507, %get3A_520 : vector<16xf32>
        %add3A_522 = arith.constant 4 : i32
        %add3A_523 = arith.addi %mul3A_34, %add3A_522 : i32
        %get3A_524 = arith.index_cast %add3A_523 : i32 to index
        %get3A_525 = arith.constant 48 : index
        %get3A_526 = tpu.vector_load %arg10[%get3A_524, %get3A_525] {strides = array<i32>} : memref<80x128xf32, #tpu.memory_space<vmem>>, vector<1x16xf32>,
        %get3A_527 = vector.shape_cast %get3A_526 : vector<1x16xf32> to vector<16xf32>
        %add3A_528 = arith.addf %add3A_514, %get3A_527 : vector<16xf32>
        %add3A_529 = arith.constant 5 : i32
        %add3A_530 = arith.addi %mul3A_34, %add3A_529 : i32
        %get3A_531 = arith.index_cast %add3A_530 : i32 to index
        %get3A_532 = arith.constant 48 : index
        %get3A_533 = tpu.vector_load %arg9[%get3A_531, %get3A_532] {strides = array<i32>} : memref<80x128xf32, #tpu.memory_space<vmem>>, vector<1x16xf32>,
        %get3A_534 = vector.shape_cast %get3A_533 : vector<1x16xf32> to vector<16xf32>
        %add3A_535 = arith.addf %add3A_521, %get3A_534 : vector<16xf32>
        %add3A_536 = arith.constant 5 : i32
        %add3A_537 = arith.addi %mul3A_34, %add3A_536 : i32
        %get3A_538 = arith.index_cast %add3A_537 : i32 to index
        %get3A_539 = arith.constant 48 : index
        %get3A_540 = tpu.vector_load %arg10[%get3A_538, %get3A_539] {strides = array<i32>} : memref<80x128xf32, #tpu.memory_space<vmem>>, vector<1x16xf32>,
        %get3A_541 = vector.shape_cast %get3A_540 : vector<1x16xf32> to vector<16xf32>
        %add3A_542 = arith.addf %add3A_528, %get3A_541 : vector<16xf32>
        %add3A_543 = arith.constant 6 : i32
        %add3A_544 = arith.addi %mul3A_34, %add3A_543 : i32
        %get3A_545 = arith.index_cast %add3A_544 : i32 to index
        %get3A_546 = arith.constant 48 : index
        %get3A_547 = tpu.vector_load %arg9[%get3A_545, %get3A_546] {strides = array<i32>} : memref<80x128xf32, #tpu.memory_space<vmem>>, vector<1x16xf32>,
        %get3A_548 = vector.shape_cast %get3A_547 : vector<1x16xf32> to vector<16xf32>
        %add3A_549 = arith.addf %add3A_535, %get3A_548 : vector<16xf32>
        %add3A_550 = arith.constant 6 : i32
        %add3A_551 = arith.addi %mul3A_34, %add3A_550 : i32
        %get3A_552 = arith.index_cast %add3A_551 : i32 to index
        %get3A_553 = arith.constant 48 : index
        %get3A_554 = tpu.vector_load %arg10[%get3A_552, %get3A_553] {strides = array<i32>} : memref<80x128xf32, #tpu.memory_space<vmem>>, vector<1x16xf32>,
        %get3A_555 = vector.shape_cast %get3A_554 : vector<1x16xf32> to vector<16xf32>
        %add3A_556 = arith.addf %add3A_542, %get3A_555 : vector<16xf32>
        %add3A_557 = arith.constant 7 : i32
        %add3A_558 = arith.addi %mul3A_34, %add3A_557 : i32
        %get3A_559 = arith.index_cast %add3A_558 : i32 to index
        %get3A_560 = arith.constant 48 : index
        %get3A_561 = tpu.vector_load %arg9[%get3A_559, %get3A_560] {strides = array<i32>} : memref<80x128xf32, #tpu.memory_space<vmem>>, vector<1x16xf32>,
        %get3A_562 = vector.shape_cast %get3A_561 : vector<1x16xf32> to vector<16xf32>
        %add3A_563 = arith.addf %add3A_549, %get3A_562 : vector<16xf32>
        %add3A_564 = arith.constant 7 : i32
        %add3A_565 = arith.addi %mul3A_34, %add3A_564 : i32
        %get3A_566 = arith.index_cast %add3A_565 : i32 to index
        %get3A_567 = arith.constant 48 : index
        %get3A_568 = tpu.vector_load %arg10[%get3A_566, %get3A_567] {strides = array<i32>} : memref<80x128xf32, #tpu.memory_space<vmem>>, vector<1x16xf32>,
        %get3A_569 = vector.shape_cast %get3A_568 : vector<1x16xf32> to vector<16xf32>
        %add3A_570 = arith.addf %add3A_556, %get3A_569 : vector<16xf32>
        %add3A_571 = arith.constant 8 : i32
        %add3A_572 = arith.addi %mul3A_34, %add3A_571 : i32
        %get3A_573 = arith.index_cast %add3A_572 : i32 to index
        %get3A_574 = arith.constant 48 : index
        %get3A_575 = tpu.vector_load %arg9[%get3A_573, %get3A_574] {strides = array<i32>} : memref<80x128xf32, #tpu.memory_space<vmem>>, vector<1x16xf32>,
        %get3A_576 = vector.shape_cast %get3A_575 : vector<1x16xf32> to vector<16xf32>
        %add3A_577 = arith.addf %add3A_563, %get3A_576 : vector<16xf32>
        %add3A_578 = arith.constant 8 : i32
        %add3A_579 = arith.addi %mul3A_34, %add3A_578 : i32
        %get3A_580 = arith.index_cast %add3A_579 : i32 to index
        %get3A_581 = arith.constant 48 : index
        %get3A_582 = tpu.vector_load %arg10[%get3A_580, %get3A_581] {strides = array<i32>} : memref<80x128xf32, #tpu.memory_space<vmem>>, vector<1x16xf32>,
        %get3A_583 = vector.shape_cast %get3A_582 : vector<1x16xf32> to vector<16xf32>
        %add3A_584 = arith.addf %add3A_570, %get3A_583 : vector<16xf32>
        %add3A_585 = arith.constant 9 : i32
        %add3A_586 = arith.addi %mul3A_34, %add3A_585 : i32
        %get3A_587 = arith.index_cast %add3A_586 : i32 to index
        %get3A_588 = arith.constant 48 : index
        %get3A_589 = tpu.vector_load %arg9[%get3A_587, %get3A_588] {strides = array<i32>} : memref<80x128xf32, #tpu.memory_space<vmem>>, vector<1x16xf32>,
        %get3A_590 = vector.shape_cast %get3A_589 : vector<1x16xf32> to vector<16xf32>
        %add3A_591 = arith.addf %add3A_577, %get3A_590 : vector<16xf32>
        %add3A_592 = arith.constant 9 : i32
        %add3A_593 = arith.addi %mul3A_34, %add3A_592 : i32
        %get3A_594 = arith.index_cast %add3A_593 : i32 to index
        %get3A_595 = arith.constant 48 : index
        %get3A_596 = tpu.vector_load %arg10[%get3A_594, %get3A_595] {strides = array<i32>} : memref<80x128xf32, #tpu.memory_space<vmem>>, vector<1x16xf32>,
        %get3A_597 = vector.shape_cast %get3A_596 : vector<1x16xf32> to vector<16xf32>
        %add3A_598 = arith.addf %add3A_584, %get3A_597 : vector<16xf32>
        %swap3A_599 = arith.index_cast %scan3A_32 : i32 to index
        %swap3A_600 = arith.constant 48 : index
        %swap3A_601 = tpu.vector_load %arg11[%swap3A_599, %swap3A_600] {strides = array<i32>} : memref<8x256xf32, #tpu.memory_space<vmem>>, vector<1x16xf32>,
        %swap3A_602 = vector.shape_cast %swap3A_601 : vector<1x16xf32> to vector<16xf32>
        %swap3A_603 = vector.shape_cast %add3A_591 : vector<16xf32> to vector<1x16xf32>
        tpu.vector_store %arg11[%swap3A_599, %swap3A_600], %swap3A_603 {strides = array<i32>} : memref<8x256xf32, #tpu.memory_space<vmem>>, vector<1x16xf32>,
        %swap3A_604 = arith.index_cast %scan3A_32 : i32 to index
        %swap3A_605 = arith.constant 176 : index
        %swap3A_606 = tpu.vector_load %arg11[%swap3A_604, %swap3A_605] {strides = array<i32>} : memref<8x256xf32, #tpu.memory_space<vmem>>, vector<1x16xf32>,
        %swap3A_607 = vector.shape_cast %swap3A_606 : vector<1x16xf32> to vector<16xf32>
        %swap3A_608 = vector.shape_cast %add3A_598 : vector<16xf32> to vector<1x16xf32>
        tpu.vector_store %arg11[%swap3A_604, %swap3A_605], %swap3A_608 {strides = array<i32>} : memref<8x256xf32, #tpu.memory_space<vmem>>, vector<1x16xf32>,
        %get3A_609 = arith.index_cast %mul3A_34 : i32 to index
        %get3A_610 = arith.constant 64 : index
        %get3A_611 = tpu.vector_load %arg9[%get3A_609, %get3A_610] {strides = array<i32>} : memref<80x128xf32, #tpu.memory_space<vmem>>, vector<1x16xf32>,
        %get3A_612 = vector.shape_cast %get3A_611 : vector<1x16xf32> to vector<16xf32>
        %get3A_613 = arith.index_cast %mul3A_34 : i32 to index
        %get3A_614 = arith.constant 64 : index
        %get3A_615 = tpu.vector_load %arg10[%get3A_613, %get3A_614] {strides = array<i32>} : memref<80x128xf32, #tpu.memory_space<vmem>>, vector<1x16xf32>,
        %get3A_616 = vector.shape_cast %get3A_615 : vector<1x16xf32> to vector<16xf32>
        %add3A_617 = arith.constant 1 : i32
        %add3A_618 = arith.addi %mul3A_34, %add3A_617 : i32
        %get3A_619 = arith.index_cast %add3A_618 : i32 to index
        %get3A_620 = arith.constant 64 : index
        %get3A_621 = tpu.vector_load %arg9[%get3A_619, %get3A_620] {strides = array<i32>} : memref<80x128xf32, #tpu.memory_space<vmem>>, vector<1x16xf32>,
        %get3A_622 = vector.shape_cast %get3A_621 : vector<1x16xf32> to vector<16xf32>
        %add3A_623 = arith.addf %get3A_612, %get3A_622 : vector<16xf32>
        %add3A_624 = arith.constant 1 : i32
        %add3A_625 = arith.addi %mul3A_34, %add3A_624 : i32
        %get3A_626 = arith.index_cast %add3A_625 : i32 to index
        %get3A_627 = arith.constant 64 : index
        %get3A_628 = tpu.vector_load %arg10[%get3A_626, %get3A_627] {strides = array<i32>} : memref<80x128xf32, #tpu.memory_space<vmem>>, vector<1x16xf32>,
        %get3A_629 = vector.shape_cast %get3A_628 : vector<1x16xf32> to vector<16xf32>
        %add3A_630 = arith.addf %get3A_616, %get3A_629 : vector<16xf32>
        %add3A_631 = arith.constant 2 : i32
        %add3A_632 = arith.addi %mul3A_34, %add3A_631 : i32
        %get3A_633 = arith.index_cast %add3A_632 : i32 to index
        %get3A_634 = arith.constant 64 : index
        %get3A_635 = tpu.vector_load %arg9[%get3A_633, %get3A_634] {strides = array<i32>} : memref<80x128xf32, #tpu.memory_space<vmem>>, vector<1x16xf32>,
        %get3A_636 = vector.shape_cast %get3A_635 : vector<1x16xf32> to vector<16xf32>
        %add3A_637 = arith.addf %add3A_623, %get3A_636 : vector<16xf32>
        %add3A_638 = arith.constant 2 : i32
        %add3A_639 = arith.addi %mul3A_34, %add3A_638 : i32
        %get3A_640 = arith.index_cast %add3A_639 : i32 to index
        %get3A_641 = arith.constant 64 : index
        %get3A_642 = tpu.vector_load %arg10[%get3A_640, %get3A_641] {strides = array<i32>} : memref<80x128xf32, #tpu.memory_space<vmem>>, vector<1x16xf32>,
        %get3A_643 = vector.shape_cast %get3A_642 : vector<1x16xf32> to vector<16xf32>
        %add3A_644 = arith.addf %add3A_630, %get3A_643 : vector<16xf32>
        %add3A_645 = arith.constant 3 : i32
        %add3A_646 = arith.addi %mul3A_34, %add3A_645 : i32
        %get3A_647 = arith.index_cast %add3A_646 : i32 to index
        %get3A_648 = arith.constant 64 : index
        %get3A_649 = tpu.vector_load %arg9[%get3A_647, %get3A_648] {strides = array<i32>} : memref<80x128xf32, #tpu.memory_space<vmem>>, vector<1x16xf32>,
        %get3A_650 = vector.shape_cast %get3A_649 : vector<1x16xf32> to vector<16xf32>
        %add3A_651 = arith.addf %add3A_637, %get3A_650 : vector<16xf32>
        %add3A_652 = arith.constant 3 : i32
        %add3A_653 = arith.addi %mul3A_34, %add3A_652 : i32
        %get3A_654 = arith.index_cast %add3A_653 : i32 to index
        %get3A_655 = arith.constant 64 : index
        %get3A_656 = tpu.vector_load %arg10[%get3A_654, %get3A_655] {strides = array<i32>} : memref<80x128xf32, #tpu.memory_space<vmem>>, vector<1x16xf32>,
        %get3A_657 = vector.shape_cast %get3A_656 : vector<1x16xf32> to vector<16xf32>
        %add3A_658 = arith.addf %add3A_644, %get3A_657 : vector<16xf32>
        %add3A_659 = arith.constant 4 : i32
        %add3A_660 = arith.addi %mul3A_34, %add3A_659 : i32
        %get3A_661 = arith.index_cast %add3A_660 : i32 to index
        %get3A_662 = arith.constant 64 : index
        %get3A_663 = tpu.vector_load %arg9[%get3A_661, %get3A_662] {strides = array<i32>} : memref<80x128xf32, #tpu.memory_space<vmem>>, vector<1x16xf32>,
        %get3A_664 = vector.shape_cast %get3A_663 : vector<1x16xf32> to vector<16xf32>
        %add3A_665 = arith.addf %add3A_651, %get3A_664 : vector<16xf32>
        %add3A_666 = arith.constant 4 : i32
        %add3A_667 = arith.addi %mul3A_34, %add3A_666 : i32
        %get3A_668 = arith.index_cast %add3A_667 : i32 to index
        %get3A_669 = arith.constant 64 : index
        %get3A_670 = tpu.vector_load %arg10[%get3A_668, %get3A_669] {strides = array<i32>} : memref<80x128xf32, #tpu.memory_space<vmem>>, vector<1x16xf32>,
        %get3A_671 = vector.shape_cast %get3A_670 : vector<1x16xf32> to vector<16xf32>
        %add3A_672 = arith.addf %add3A_658, %get3A_671 : vector<16xf32>
        %add3A_673 = arith.constant 5 : i32
        %add3A_674 = arith.addi %mul3A_34, %add3A_673 : i32
        %get3A_675 = arith.index_cast %add3A_674 : i32 to index
        %get3A_676 = arith.constant 64 : index
        %get3A_677 = tpu.vector_load %arg9[%get3A_675, %get3A_676] {strides = array<i32>} : memref<80x128xf32, #tpu.memory_space<vmem>>, vector<1x16xf32>,
        %get3A_678 = vector.shape_cast %get3A_677 : vector<1x16xf32> to vector<16xf32>
        %add3A_679 = arith.addf %add3A_665, %get3A_678 : vector<16xf32>
        %add3A_680 = arith.constant 5 : i32
        %add3A_681 = arith.addi %mul3A_34, %add3A_680 : i32
        %get3A_682 = arith.index_cast %add3A_681 : i32 to index
        %get3A_683 = arith.constant 64 : index
        %get3A_684 = tpu.vector_load %arg10[%get3A_682, %get3A_683] {strides = array<i32>} : memref<80x128xf32, #tpu.memory_space<vmem>>, vector<1x16xf32>,
        %get3A_685 = vector.shape_cast %get3A_684 : vector<1x16xf32> to vector<16xf32>
        %add3A_686 = arith.addf %add3A_672, %get3A_685 : vector<16xf32>
        %add3A_687 = arith.constant 6 : i32
        %add3A_688 = arith.addi %mul3A_34, %add3A_687 : i32
        %get3A_689 = arith.index_cast %add3A_688 : i32 to index
        %get3A_690 = arith.constant 64 : index
        %get3A_691 = tpu.vector_load %arg9[%get3A_689, %get3A_690] {strides = array<i32>} : memref<80x128xf32, #tpu.memory_space<vmem>>, vector<1x16xf32>,
        %get3A_692 = vector.shape_cast %get3A_691 : vector<1x16xf32> to vector<16xf32>
        %add3A_693 = arith.addf %add3A_679, %get3A_692 : vector<16xf32>
        %add3A_694 = arith.constant 6 : i32
        %add3A_695 = arith.addi %mul3A_34, %add3A_694 : i32
        %get3A_696 = arith.index_cast %add3A_695 : i32 to index
        %get3A_697 = arith.constant 64 : index
        %get3A_698 = tpu.vector_load %arg10[%get3A_696, %get3A_697] {strides = array<i32>} : memref<80x128xf32, #tpu.memory_space<vmem>>, vector<1x16xf32>,
        %get3A_699 = vector.shape_cast %get3A_698 : vector<1x16xf32> to vector<16xf32>
        %add3A_700 = arith.addf %add3A_686, %get3A_699 : vector<16xf32>
        %add3A_701 = arith.constant 7 : i32
        %add3A_702 = arith.addi %mul3A_34, %add3A_701 : i32
        %get3A_703 = arith.index_cast %add3A_702 : i32 to index
        %get3A_704 = arith.constant 64 : index
        %get3A_705 = tpu.vector_load %arg9[%get3A_703, %get3A_704] {strides = array<i32>} : memref<80x128xf32, #tpu.memory_space<vmem>>, vector<1x16xf32>,
        %get3A_706 = vector.shape_cast %get3A_705 : vector<1x16xf32> to vector<16xf32>
        %add3A_707 = arith.addf %add3A_693, %get3A_706 : vector<16xf32>
        %add3A_708 = arith.constant 7 : i32
        %add3A_709 = arith.addi %mul3A_34, %add3A_708 : i32
        %get3A_710 = arith.index_cast %add3A_709 : i32 to index
        %get3A_711 = arith.constant 64 : index
        %get3A_712 = tpu.vector_load %arg10[%get3A_710, %get3A_711] {strides = array<i32>} : memref<80x128xf32, #tpu.memory_space<vmem>>, vector<1x16xf32>,
        %get3A_713 = vector.shape_cast %get3A_712 : vector<1x16xf32> to vector<16xf32>
        %add3A_714 = arith.addf %add3A_700, %get3A_713 : vector<16xf32>
        %add3A_715 = arith.constant 8 : i32
        %add3A_716 = arith.addi %mul3A_34, %add3A_715 : i32
        %get3A_717 = arith.index_cast %add3A_716 : i32 to index
        %get3A_718 = arith.constant 64 : index
        %get3A_719 = tpu.vector_load %arg9[%get3A_717, %get3A_718] {strides = array<i32>} : memref<80x128xf32, #tpu.memory_space<vmem>>, vector<1x16xf32>,
        %get3A_720 = vector.shape_cast %get3A_719 : vector<1x16xf32> to vector<16xf32>
        %add3A_721 = arith.addf %add3A_707, %get3A_720 : vector<16xf32>
        %add3A_722 = arith.constant 8 : i32
        %add3A_723 = arith.addi %mul3A_34, %add3A_722 : i32
        %get3A_724 = arith.index_cast %add3A_723 : i32 to index
        %get3A_725 = arith.constant 64 : index
        %get3A_726 = tpu.vector_load %arg10[%get3A_724, %get3A_725] {strides = array<i32>} : memref<80x128xf32, #tpu.memory_space<vmem>>, vector<1x16xf32>,
        %get3A_727 = vector.shape_cast %get3A_726 : vector<1x16xf32> to vector<16xf32>
        %add3A_728 = arith.addf %add3A_714, %get3A_727 : vector<16xf32>
        %add3A_729 = arith.constant 9 : i32
        %add3A_730 = arith.addi %mul3A_34, %add3A_729 : i32
        %get3A_731 = arith.index_cast %add3A_730 : i32 to index
        %get3A_732 = arith.constant 64 : index
        %get3A_733 = tpu.vector_load %arg9[%get3A_731, %get3A_732] {strides = array<i32>} : memref<80x128xf32, #tpu.memory_space<vmem>>, vector<1x16xf32>,
        %get3A_734 = vector.shape_cast %get3A_733 : vector<1x16xf32> to vector<16xf32>
        %add3A_735 = arith.addf %add3A_721, %get3A_734 : vector<16xf32>
        %add3A_736 = arith.constant 9 : i32
        %add3A_737 = arith.addi %mul3A_34, %add3A_736 : i32
        %get3A_738 = arith.index_cast %add3A_737 : i32 to index
        %get3A_739 = arith.constant 64 : index
        %get3A_740 = tpu.vector_load %arg10[%get3A_738, %get3A_739] {strides = array<i32>} : memref<80x128xf32, #tpu.memory_space<vmem>>, vector<1x16xf32>,
        %get3A_741 = vector.shape_cast %get3A_740 : vector<1x16xf32> to vector<16xf32>
        %add3A_742 = arith.addf %add3A_728, %get3A_741 : vector<16xf32>
        %swap3A_743 = arith.index_cast %scan3A_32 : i32 to index
        %swap3A_744 = arith.constant 64 : index
        %swap3A_745 = tpu.vector_load %arg11[%swap3A_743, %swap3A_744] {strides = array<i32>} : memref<8x256xf32, #tpu.memory_space<vmem>>, vector<1x16xf32>,
        %swap3A_746 = vector.shape_cast %swap3A_745 : vector<1x16xf32> to vector<16xf32>
        %swap3A_747 = vector.shape_cast %add3A_735 : vector<16xf32> to vector<1x16xf32>
        tpu.vector_store %arg11[%swap3A_743, %swap3A_744], %swap3A_747 {strides = array<i32>} : memref<8x256xf32, #tpu.memory_space<vmem>>, vector<1x16xf32>,
        %swap3A_748 = arith.index_cast %scan3A_32 : i32 to index
        %swap3A_749 = arith.constant 192 : index
        %swap3A_750 = tpu.vector_load %arg11[%swap3A_748, %swap3A_749] {strides = array<i32>} : memref<8x256xf32, #tpu.memory_space<vmem>>, vector<1x16xf32>,
        %swap3A_751 = vector.shape_cast %swap3A_750 : vector<1x16xf32> to vector<16xf32>
        %swap3A_752 = vector.shape_cast %add3A_742 : vector<16xf32> to vector<1x16xf32>
        tpu.vector_store %arg11[%swap3A_748, %swap3A_749], %swap3A_752 {strides = array<i32>} : memref<8x256xf32, #tpu.memory_space<vmem>>, vector<1x16xf32>,
        %get3A_753 = arith.index_cast %mul3A_34 : i32 to index
        %get3A_754 = arith.constant 80 : index
        %get3A_755 = tpu.vector_load %arg9[%get3A_753, %get3A_754] {strides = array<i32>} : memref<80x128xf32, #tpu.memory_space<vmem>>, vector<1x16xf32>,
        %get3A_756 = vector.shape_cast %get3A_755 : vector<1x16xf32> to vector<16xf32>
        %get3A_757 = arith.index_cast %mul3A_34 : i32 to index
        %get3A_758 = arith.constant 80 : index
        %get3A_759 = tpu.vector_load %arg10[%get3A_757, %get3A_758] {strides = array<i32>} : memref<80x128xf32, #tpu.memory_space<vmem>>, vector<1x16xf32>,
        %get3A_760 = vector.shape_cast %get3A_759 : vector<1x16xf32> to vector<16xf32>
        %add3A_761 = arith.constant 1 : i32
        %add3A_762 = arith.addi %mul3A_34, %add3A_761 : i32
        %get3A_763 = arith.index_cast %add3A_762 : i32 to index
        %get3A_764 = arith.constant 80 : index
        %get3A_765 = tpu.vector_load %arg9[%get3A_763, %get3A_764] {strides = array<i32>} : memref<80x128xf32, #tpu.memory_space<vmem>>, vector<1x16xf32>,
        %get3A_766 = vector.shape_cast %get3A_765 : vector<1x16xf32> to vector<16xf32>
        %add3A_767 = arith.addf %get3A_756, %get3A_766 : vector<16xf32>
        %add3A_768 = arith.constant 1 : i32
        %add3A_769 = arith.addi %mul3A_34, %add3A_768 : i32
        %get3A_770 = arith.index_cast %add3A_769 : i32 to index
        %get3A_771 = arith.constant 80 : index
        %get3A_772 = tpu.vector_load %arg10[%get3A_770, %get3A_771] {strides = array<i32>} : memref<80x128xf32, #tpu.memory_space<vmem>>, vector<1x16xf32>,
        %get3A_773 = vector.shape_cast %get3A_772 : vector<1x16xf32> to vector<16xf32>
        %add3A_774 = arith.addf %get3A_760, %get3A_773 : vector<16xf32>
        %add3A_775 = arith.constant 2 : i32
        %add3A_776 = arith.addi %mul3A_34, %add3A_775 : i32
        %get3A_777 = arith.index_cast %add3A_776 : i32 to index
        %get3A_778 = arith.constant 80 : index
        %get3A_779 = tpu.vector_load %arg9[%get3A_777, %get3A_778] {strides = array<i32>} : memref<80x128xf32, #tpu.memory_space<vmem>>, vector<1x16xf32>,
        %get3A_780 = vector.shape_cast %get3A_779 : vector<1x16xf32> to vector<16xf32>
        %add3A_781 = arith.addf %add3A_767, %get3A_780 : vector<16xf32>
        %add3A_782 = arith.constant 2 : i32
        %add3A_783 = arith.addi %mul3A_34, %add3A_782 : i32
        %get3A_784 = arith.index_cast %add3A_783 : i32 to index
        %get3A_785 = arith.constant 80 : index
        %get3A_786 = tpu.vector_load %arg10[%get3A_784, %get3A_785] {strides = array<i32>} : memref<80x128xf32, #tpu.memory_space<vmem>>, vector<1x16xf32>,
        %get3A_787 = vector.shape_cast %get3A_786 : vector<1x16xf32> to vector<16xf32>
        %add3A_788 = arith.addf %add3A_774, %get3A_787 : vector<16xf32>
        %add3A_789 = arith.constant 3 : i32
        %add3A_790 = arith.addi %mul3A_34, %add3A_789 : i32
        %get3A_791 = arith.index_cast %add3A_790 : i32 to index
        %get3A_792 = arith.constant 80 : index
        %get3A_793 = tpu.vector_load %arg9[%get3A_791, %get3A_792] {strides = array<i32>} : memref<80x128xf32, #tpu.memory_space<vmem>>, vector<1x16xf32>,
        %get3A_794 = vector.shape_cast %get3A_793 : vector<1x16xf32> to vector<16xf32>
        %add3A_795 = arith.addf %add3A_781, %get3A_794 : vector<16xf32>
        %add3A_796 = arith.constant 3 : i32
        %add3A_797 = arith.addi %mul3A_34, %add3A_796 : i32
        %get3A_798 = arith.index_cast %add3A_797 : i32 to index
        %get3A_799 = arith.constant 80 : index
        %get3A_800 = tpu.vector_load %arg10[%get3A_798, %get3A_799] {strides = array<i32>} : memref<80x128xf32, #tpu.memory_space<vmem>>, vector<1x16xf32>,
        %get3A_801 = vector.shape_cast %get3A_800 : vector<1x16xf32> to vector<16xf32>
        %add3A_802 = arith.addf %add3A_788, %get3A_801 : vector<16xf32>
        %add3A_803 = arith.constant 4 : i32
        %add3A_804 = arith.addi %mul3A_34, %add3A_803 : i32
        %get3A_805 = arith.index_cast %add3A_804 : i32 to index
        %get3A_806 = arith.constant 80 : index
        %get3A_807 = tpu.vector_load %arg9[%get3A_805, %get3A_806] {strides = array<i32>} : memref<80x128xf32, #tpu.memory_space<vmem>>, vector<1x16xf32>,
        %get3A_808 = vector.shape_cast %get3A_807 : vector<1x16xf32> to vector<16xf32>
        %add3A_809 = arith.addf %add3A_795, %get3A_808 : vector<16xf32>
        %add3A_810 = arith.constant 4 : i32
        %add3A_811 = arith.addi %mul3A_34, %add3A_810 : i32
        %get3A_812 = arith.index_cast %add3A_811 : i32 to index
        %get3A_813 = arith.constant 80 : index
        %get3A_814 = tpu.vector_load %arg10[%get3A_812, %get3A_813] {strides = array<i32>} : memref<80x128xf32, #tpu.memory_space<vmem>>, vector<1x16xf32>,
        %get3A_815 = vector.shape_cast %get3A_814 : vector<1x16xf32> to vector<16xf32>
        %add3A_816 = arith.addf %add3A_802, %get3A_815 : vector<16xf32>
        %add3A_817 = arith.constant 5 : i32
        %add3A_818 = arith.addi %mul3A_34, %add3A_817 : i32
        %get3A_819 = arith.index_cast %add3A_818 : i32 to index
        %get3A_820 = arith.constant 80 : index
        %get3A_821 = tpu.vector_load %arg9[%get3A_819, %get3A_820] {strides = array<i32>} : memref<80x128xf32, #tpu.memory_space<vmem>>, vector<1x16xf32>,
        %get3A_822 = vector.shape_cast %get3A_821 : vector<1x16xf32> to vector<16xf32>
        %add3A_823 = arith.addf %add3A_809, %get3A_822 : vector<16xf32>
        %add3A_824 = arith.constant 5 : i32
        %add3A_825 = arith.addi %mul3A_34, %add3A_824 : i32
        %get3A_826 = arith.index_cast %add3A_825 : i32 to index
        %get3A_827 = arith.constant 80 : index
        %get3A_828 = tpu.vector_load %arg10[%get3A_826, %get3A_827] {strides = array<i32>} : memref<80x128xf32, #tpu.memory_space<vmem>>, vector<1x16xf32>,
        %get3A_829 = vector.shape_cast %get3A_828 : vector<1x16xf32> to vector<16xf32>
        %add3A_830 = arith.addf %add3A_816, %get3A_829 : vector<16xf32>
        %add3A_831 = arith.constant 6 : i32
        %add3A_832 = arith.addi %mul3A_34, %add3A_831 : i32
        %get3A_833 = arith.index_cast %add3A_832 : i32 to index
        %get3A_834 = arith.constant 80 : index
        %get3A_835 = tpu.vector_load %arg9[%get3A_833, %get3A_834] {strides = array<i32>} : memref<80x128xf32, #tpu.memory_space<vmem>>, vector<1x16xf32>,
        %get3A_836 = vector.shape_cast %get3A_835 : vector<1x16xf32> to vector<16xf32>
        %add3A_837 = arith.addf %add3A_823, %get3A_836 : vector<16xf32>
        %add3A_838 = arith.constant 6 : i32
        %add3A_839 = arith.addi %mul3A_34, %add3A_838 : i32
        %get3A_840 = arith.index_cast %add3A_839 : i32 to index
        %get3A_841 = arith.constant 80 : index
        %get3A_842 = tpu.vector_load %arg10[%get3A_840, %get3A_841] {strides = array<i32>} : memref<80x128xf32, #tpu.memory_space<vmem>>, vector<1x16xf32>,
        %get3A_843 = vector.shape_cast %get3A_842 : vector<1x16xf32> to vector<16xf32>
        %add3A_844 = arith.addf %add3A_830, %get3A_843 : vector<16xf32>
        %add3A_845 = arith.constant 7 : i32
        %add3A_846 = arith.addi %mul3A_34, %add3A_845 : i32
        %get3A_847 = arith.index_cast %add3A_846 : i32 to index
        %get3A_848 = arith.constant 80 : index
        %get3A_849 = tpu.vector_load %arg9[%get3A_847, %get3A_848] {strides = array<i32>} : memref<80x128xf32, #tpu.memory_space<vmem>>, vector<1x16xf32>,
        %get3A_850 = vector.shape_cast %get3A_849 : vector<1x16xf32> to vector<16xf32>
        %add3A_851 = arith.addf %add3A_837, %get3A_850 : vector<16xf32>
        %add3A_852 = arith.constant 7 : i32
        %add3A_853 = arith.addi %mul3A_34, %add3A_852 : i32
        %get3A_854 = arith.index_cast %add3A_853 : i32 to index
        %get3A_855 = arith.constant 80 : index
        %get3A_856 = tpu.vector_load %arg10[%get3A_854, %get3A_855] {strides = array<i32>} : memref<80x128xf32, #tpu.memory_space<vmem>>, vector<1x16xf32>,
        %get3A_857 = vector.shape_cast %get3A_856 : vector<1x16xf32> to vector<16xf32>
        %add3A_858 = arith.addf %add3A_844, %get3A_857 : vector<16xf32>
        %add3A_859 = arith.constant 8 : i32
        %add3A_860 = arith.addi %mul3A_34, %add3A_859 : i32
        %get3A_861 = arith.index_cast %add3A_860 : i32 to index
        %get3A_862 = arith.constant 80 : index
        %get3A_863 = tpu.vector_load %arg9[%get3A_861, %get3A_862] {strides = array<i32>} : memref<80x128xf32, #tpu.memory_space<vmem>>, vector<1x16xf32>,
        %get3A_864 = vector.shape_cast %get3A_863 : vector<1x16xf32> to vector<16xf32>
        %add3A_865 = arith.addf %add3A_851, %get3A_864 : vector<16xf32>
        %add3A_866 = arith.constant 8 : i32
        %add3A_867 = arith.addi %mul3A_34, %add3A_866 : i32
        %get3A_868 = arith.index_cast %add3A_867 : i32 to index
        %get3A_869 = arith.constant 80 : index
        %get3A_870 = tpu.vector_load %arg10[%get3A_868, %get3A_869] {strides = array<i32>} : memref<80x128xf32, #tpu.memory_space<vmem>>, vector<1x16xf32>,
        %get3A_871 = vector.shape_cast %get3A_870 : vector<1x16xf32> to vector<16xf32>
        %add3A_872 = arith.addf %add3A_858, %get3A_871 : vector<16xf32>
        %add3A_873 = arith.constant 9 : i32
        %add3A_874 = arith.addi %mul3A_34, %add3A_873 : i32
        %get3A_875 = arith.index_cast %add3A_874 : i32 to index
        %get3A_876 = arith.constant 80 : index
        %get3A_877 = tpu.vector_load %arg9[%get3A_875, %get3A_876] {strides = array<i32>} : memref<80x128xf32, #tpu.memory_space<vmem>>, vector<1x16xf32>,
        %get3A_878 = vector.shape_cast %get3A_877 : vector<1x16xf32> to vector<16xf32>
        %add3A_879 = arith.addf %add3A_865, %get3A_878 : vector<16xf32>
        %add3A_880 = arith.constant 9 : i32
        %add3A_881 = arith.addi %mul3A_34, %add3A_880 : i32
        %get3A_882 = arith.index_cast %add3A_881 : i32 to index
        %get3A_883 = arith.constant 80 : index
        %get3A_884 = tpu.vector_load %arg10[%get3A_882, %get3A_883] {strides = array<i32>} : memref<80x128xf32, #tpu.memory_space<vmem>>, vector<1x16xf32>,
        %get3A_885 = vector.shape_cast %get3A_884 : vector<1x16xf32> to vector<16xf32>
        %add3A_886 = arith.addf %add3A_872, %get3A_885 : vector<16xf32>
        %swap3A_887 = arith.index_cast %scan3A_32 : i32 to index
        %swap3A_888 = arith.constant 80 : index
        %swap3A_889 = tpu.vector_load %arg11[%swap3A_887, %swap3A_888] {strides = array<i32>} : memref<8x256xf32, #tpu.memory_space<vmem>>, vector<1x16xf32>,
        %swap3A_890 = vector.shape_cast %swap3A_889 : vector<1x16xf32> to vector<16xf32>
        %swap3A_891 = vector.shape_cast %add3A_879 : vector<16xf32> to vector<1x16xf32>
        tpu.vector_store %arg11[%swap3A_887, %swap3A_888], %swap3A_891 {strides = array<i32>} : memref<8x256xf32, #tpu.memory_space<vmem>>, vector<1x16xf32>,
        %swap3A_892 = arith.index_cast %scan3A_32 : i32 to index
        %swap3A_893 = arith.constant 208 : index
        %swap3A_894 = tpu.vector_load %arg11[%swap3A_892, %swap3A_893] {strides = array<i32>} : memref<8x256xf32, #tpu.memory_space<vmem>>, vector<1x16xf32>,
        %swap3A_895 = vector.shape_cast %swap3A_894 : vector<1x16xf32> to vector<16xf32>
        %swap3A_896 = vector.shape_cast %add3A_886 : vector<16xf32> to vector<1x16xf32>
        tpu.vector_store %arg11[%swap3A_892, %swap3A_893], %swap3A_896 {strides = array<i32>} : memref<8x256xf32, #tpu.memory_space<vmem>>, vector<1x16xf32>,
        %get3A_897 = arith.index_cast %mul3A_34 : i32 to index
        %get3A_898 = arith.constant 96 : index
        %get3A_899 = tpu.vector_load %arg9[%get3A_897, %get3A_898] {strides = array<i32>} : memref<80x128xf32, #tpu.memory_space<vmem>>, vector<1x16xf32>,
        %get3A_900 = vector.shape_cast %get3A_899 : vector<1x16xf32> to vector<16xf32>
        %get3A_901 = arith.index_cast %mul3A_34 : i32 to index
        %get3A_902 = arith.constant 96 : index
        %get3A_903 = tpu.vector_load %arg10[%get3A_901, %get3A_902] {strides = array<i32>} : memref<80x128xf32, #tpu.memory_space<vmem>>, vector<1x16xf32>,
        %get3A_904 = vector.shape_cast %get3A_903 : vector<1x16xf32> to vector<16xf32>
        %add3A_905 = arith.constant 1 : i32
        %add3A_906 = arith.addi %mul3A_34, %add3A_905 : i32
        %get3A_907 = arith.index_cast %add3A_906 : i32 to index
        %get3A_908 = arith.constant 96 : index
        %get3A_909 = tpu.vector_load %arg9[%get3A_907, %get3A_908] {strides = array<i32>} : memref<80x128xf32, #tpu.memory_space<vmem>>, vector<1x16xf32>,
        %get3A_910 = vector.shape_cast %get3A_909 : vector<1x16xf32> to vector<16xf32>
        %add3A_911 = arith.addf %get3A_900, %get3A_910 : vector<16xf32>
        %add3A_912 = arith.constant 1 : i32
        %add3A_913 = arith.addi %mul3A_34, %add3A_912 : i32
        %get3A_914 = arith.index_cast %add3A_913 : i32 to index
        %get3A_915 = arith.constant 96 : index
        %get3A_916 = tpu.vector_load %arg10[%get3A_914, %get3A_915] {strides = array<i32>} : memref<80x128xf32, #tpu.memory_space<vmem>>, vector<1x16xf32>,
        %get3A_917 = vector.shape_cast %get3A_916 : vector<1x16xf32> to vector<16xf32>
        %add3A_918 = arith.addf %get3A_904, %get3A_917 : vector<16xf32>
        %add3A_919 = arith.constant 2 : i32
        %add3A_920 = arith.addi %mul3A_34, %add3A_919 : i32
        %get3A_921 = arith.index_cast %add3A_920 : i32 to index
        %get3A_922 = arith.constant 96 : index
        %get3A_923 = tpu.vector_load %arg9[%get3A_921, %get3A_922] {strides = array<i32>} : memref<80x128xf32, #tpu.memory_space<vmem>>, vector<1x16xf32>,
        %get3A_924 = vector.shape_cast %get3A_923 : vector<1x16xf32> to vector<16xf32>
        %add3A_925 = arith.addf %add3A_911, %get3A_924 : vector<16xf32>
        %add3A_926 = arith.constant 2 : i32
        %add3A_927 = arith.addi %mul3A_34, %add3A_926 : i32
        %get3A_928 = arith.index_cast %add3A_927 : i32 to index
        %get3A_929 = arith.constant 96 : index
        %get3A_930 = tpu.vector_load %arg10[%get3A_928, %get3A_929] {strides = array<i32>} : memref<80x128xf32, #tpu.memory_space<vmem>>, vector<1x16xf32>,
        %get3A_931 = vector.shape_cast %get3A_930 : vector<1x16xf32> to vector<16xf32>
        %add3A_932 = arith.addf %add3A_918, %get3A_931 : vector<16xf32>
        %add3A_933 = arith.constant 3 : i32
        %add3A_934 = arith.addi %mul3A_34, %add3A_933 : i32
        %get3A_935 = arith.index_cast %add3A_934 : i32 to index
        %get3A_936 = arith.constant 96 : index
        %get3A_937 = tpu.vector_load %arg9[%get3A_935, %get3A_936] {strides = array<i32>} : memref<80x128xf32, #tpu.memory_space<vmem>>, vector<1x16xf32>,
        %get3A_938 = vector.shape_cast %get3A_937 : vector<1x16xf32> to vector<16xf32>
        %add3A_939 = arith.addf %add3A_925, %get3A_938 : vector<16xf32>
        %add3A_940 = arith.constant 3 : i32
        %add3A_941 = arith.addi %mul3A_34, %add3A_940 : i32
        %get3A_942 = arith.index_cast %add3A_941 : i32 to index
        %get3A_943 = arith.constant 96 : index
        %get3A_944 = tpu.vector_load %arg10[%get3A_942, %get3A_943] {strides = array<i32>} : memref<80x128xf32, #tpu.memory_space<vmem>>, vector<1x16xf32>,
        %get3A_945 = vector.shape_cast %get3A_944 : vector<1x16xf32> to vector<16xf32>
        %add3A_946 = arith.addf %add3A_932, %get3A_945 : vector<16xf32>
        %add3A_947 = arith.constant 4 : i32
        %add3A_948 = arith.addi %mul3A_34, %add3A_947 : i32
        %get3A_949 = arith.index_cast %add3A_948 : i32 to index
        %get3A_950 = arith.constant 96 : index
        %get3A_951 = tpu.vector_load %arg9[%get3A_949, %get3A_950] {strides = array<i32>} : memref<80x128xf32, #tpu.memory_space<vmem>>, vector<1x16xf32>,
        %get3A_952 = vector.shape_cast %get3A_951 : vector<1x16xf32> to vector<16xf32>
        %add3A_953 = arith.addf %add3A_939, %get3A_952 : vector<16xf32>
        %add3A_954 = arith.constant 4 : i32
        %add3A_955 = arith.addi %mul3A_34, %add3A_954 : i32
        %get3A_956 = arith.index_cast %add3A_955 : i32 to index
        %get3A_957 = arith.constant 96 : index
        %get3A_958 = tpu.vector_load %arg10[%get3A_956, %get3A_957] {strides = array<i32>} : memref<80x128xf32, #tpu.memory_space<vmem>>, vector<1x16xf32>,
        %get3A_959 = vector.shape_cast %get3A_958 : vector<1x16xf32> to vector<16xf32>
        %add3A_960 = arith.addf %add3A_946, %get3A_959 : vector<16xf32>
        %add3A_961 = arith.constant 5 : i32
        %add3A_962 = arith.addi %mul3A_34, %add3A_961 : i32
        %get3A_963 = arith.index_cast %add3A_962 : i32 to index
        %get3A_964 = arith.constant 96 : index
        %get3A_965 = tpu.vector_load %arg9[%get3A_963, %get3A_964] {strides = array<i32>} : memref<80x128xf32, #tpu.memory_space<vmem>>, vector<1x16xf32>,
        %get3A_966 = vector.shape_cast %get3A_965 : vector<1x16xf32> to vector<16xf32>
        %add3A_967 = arith.addf %add3A_953, %get3A_966 : vector<16xf32>
        %add3A_968 = arith.constant 5 : i32
        %add3A_969 = arith.addi %mul3A_34, %add3A_968 : i32
        %get3A_970 = arith.index_cast %add3A_969 : i32 to index
        %get3A_971 = arith.constant 96 : index
        %get3A_972 = tpu.vector_load %arg10[%get3A_970, %get3A_971] {strides = array<i32>} : memref<80x128xf32, #tpu.memory_space<vmem>>, vector<1x16xf32>,
        %get3A_973 = vector.shape_cast %get3A_972 : vector<1x16xf32> to vector<16xf32>
        %add3A_974 = arith.addf %add3A_960, %get3A_973 : vector<16xf32>
        %add3A_975 = arith.constant 6 : i32
        %add3A_976 = arith.addi %mul3A_34, %add3A_975 : i32
        %get3A_977 = arith.index_cast %add3A_976 : i32 to index
        %get3A_978 = arith.constant 96 : index
        %get3A_979 = tpu.vector_load %arg9[%get3A_977, %get3A_978] {strides = array<i32>} : memref<80x128xf32, #tpu.memory_space<vmem>>, vector<1x16xf32>,
        %get3A_980 = vector.shape_cast %get3A_979 : vector<1x16xf32> to vector<16xf32>
        %add3A_981 = arith.addf %add3A_967, %get3A_980 : vector<16xf32>
        %add3A_982 = arith.constant 6 : i32
        %add3A_983 = arith.addi %mul3A_34, %add3A_982 : i32
        %get3A_984 = arith.index_cast %add3A_983 : i32 to index
        %get3A_985 = arith.constant 96 : index
        %get3A_986 = tpu.vector_load %arg10[%get3A_984, %get3A_985] {strides = array<i32>} : memref<80x128xf32, #tpu.memory_space<vmem>>, vector<1x16xf32>,
        %get3A_987 = vector.shape_cast %get3A_986 : vector<1x16xf32> to vector<16xf32>
        %add3A_988 = arith.addf %add3A_974, %get3A_987 : vector<16xf32>
        %add3A_989 = arith.constant 7 : i32
        %add3A_990 = arith.addi %mul3A_34, %add3A_989 : i32
        %get3A_991 = arith.index_cast %add3A_990 : i32 to index
        %get3A_992 = arith.constant 96 : index
        %get3A_993 = tpu.vector_load %arg9[%get3A_991, %get3A_992] {strides = array<i32>} : memref<80x128xf32, #tpu.memory_space<vmem>>, vector<1x16xf32>,
        %get3A_994 = vector.shape_cast %get3A_993 : vector<1x16xf32> to vector<16xf32>
        %add3A_995 = arith.addf %add3A_981, %get3A_994 : vector<16xf32>
        %add3A_996 = arith.constant 7 : i32
        %add3A_997 = arith.addi %mul3A_34, %add3A_996 : i32
        %get3A_998 = arith.index_cast %add3A_997 : i32 to index
        %get3A_999 = arith.constant 96 : index
        %get3A_1000 = tpu.vector_load %arg10[%get3A_998, %get3A_999] {strides = array<i32>} : memref<80x128xf32, #tpu.memory_space<vmem>>, vector<1x16xf32>,
        %get3A_1001 = vector.shape_cast %get3A_1000 : vector<1x16xf32> to vector<16xf32>
        %add3A_1002 = arith.addf %add3A_988, %get3A_1001 : vector<16xf32>
        %add3A_1003 = arith.constant 8 : i32
        %add3A_1004 = arith.addi %mul3A_34, %add3A_1003 : i32
        %get3A_1005 = arith.index_cast %add3A_1004 : i32 to index
        %get3A_1006 = arith.constant 96 : index
        %get3A_1007 = tpu.vector_load %arg9[%get3A_1005, %get3A_1006] {strides = array<i32>} : memref<80x128xf32, #tpu.memory_space<vmem>>, vector<1x16xf32>,
        %get3A_1008 = vector.shape_cast %get3A_1007 : vector<1x16xf32> to vector<16xf32>
        %add3A_1009 = arith.addf %add3A_995, %get3A_1008 : vector<16xf32>
        %add3A_1010 = arith.constant 8 : i32
        %add3A_1011 = arith.addi %mul3A_34, %add3A_1010 : i32
        %get3A_1012 = arith.index_cast %add3A_1011 : i32 to index
        %get3A_1013 = arith.constant 96 : index
        %get3A_1014 = tpu.vector_load %arg10[%get3A_1012, %get3A_1013] {strides = array<i32>} : memref<80x128xf32, #tpu.memory_space<vmem>>, vector<1x16xf32>,
        %get3A_1015 = vector.shape_cast %get3A_1014 : vector<1x16xf32> to vector<16xf32>
        %add3A_1016 = arith.addf %add3A_1002, %get3A_1015 : vector<16xf32>
        %add3A_1017 = arith.constant 9 : i32
        %add3A_1018 = arith.addi %mul3A_34, %add3A_1017 : i32
        %get3A_1019 = arith.index_cast %add3A_1018 : i32 to index
        %get3A_1020 = arith.constant 96 : index
        %get3A_1021 = tpu.vector_load %arg9[%get3A_1019, %get3A_1020] {strides = array<i32>} : memref<80x128xf32, #tpu.memory_space<vmem>>, vector<1x16xf32>,
        %get3A_1022 = vector.shape_cast %get3A_1021 : vector<1x16xf32> to vector<16xf32>
        %add3A_1023 = arith.addf %add3A_1009, %get3A_1022 : vector<16xf32>
        %add3A_1024 = arith.constant 9 : i32
        %add3A_1025 = arith.addi %mul3A_34, %add3A_1024 : i32
        %get3A_1026 = arith.index_cast %add3A_1025 : i32 to index
        %get3A_1027 = arith.constant 96 : index
        %get3A_1028 = tpu.vector_load %arg10[%get3A_1026, %get3A_1027] {strides = array<i32>} : memref<80x128xf32, #tpu.memory_space<vmem>>, vector<1x16xf32>,
        %get3A_1029 = vector.shape_cast %get3A_1028 : vector<1x16xf32> to vector<16xf32>
        %add3A_1030 = arith.addf %add3A_1016, %get3A_1029 : vector<16xf32>
        %swap3A_1031 = arith.index_cast %scan3A_32 : i32 to index
        %swap3A_1032 = arith.constant 96 : index
        %swap3A_1033 = tpu.vector_load %arg11[%swap3A_1031, %swap3A_1032] {strides = array<i32>} : memref<8x256xf32, #tpu.memory_space<vmem>>, vector<1x16xf32>,
        %swap3A_1034 = vector.shape_cast %swap3A_1033 : vector<1x16xf32> to vector<16xf32>
        %swap3A_1035 = vector.shape_cast %add3A_1023 : vector<16xf32> to vector<1x16xf32>
        tpu.vector_store %arg11[%swap3A_1031, %swap3A_1032], %swap3A_1035 {strides = array<i32>} : memref<8x256xf32, #tpu.memory_space<vmem>>, vector<1x16xf32>,
        %swap3A_1036 = arith.index_cast %scan3A_32 : i32 to index
        %swap3A_1037 = arith.constant 224 : index
        %swap3A_1038 = tpu.vector_load %arg11[%swap3A_1036, %swap3A_1037] {strides = array<i32>} : memref<8x256xf32, #tpu.memory_space<vmem>>, vector<1x16xf32>,
        %swap3A_1039 = vector.shape_cast %swap3A_1038 : vector<1x16xf32> to vector<16xf32>
        %swap3A_1040 = vector.shape_cast %add3A_1030 : vector<16xf32> to vector<1x16xf32>
        tpu.vector_store %arg11[%swap3A_1036, %swap3A_1037], %swap3A_1040 {strides = array<i32>} : memref<8x256xf32, #tpu.memory_space<vmem>>, vector<1x16xf32>,
        %get3A_1041 = arith.index_cast %mul3A_34 : i32 to index
        %get3A_1042 = arith.constant 112 : index
        %get3A_1043 = tpu.vector_load %arg9[%get3A_1041, %get3A_1042] {strides = array<i32>} : memref<80x128xf32, #tpu.memory_space<vmem>>, vector<1x16xf32>,
        %get3A_1044 = vector.shape_cast %get3A_1043 : vector<1x16xf32> to vector<16xf32>
        %get3A_1045 = arith.index_cast %mul3A_34 : i32 to index
        %get3A_1046 = arith.constant 112 : index
        %get3A_1047 = tpu.vector_load %arg10[%get3A_1045, %get3A_1046] {strides = array<i32>} : memref<80x128xf32, #tpu.memory_space<vmem>>, vector<1x16xf32>,
        %get3A_1048 = vector.shape_cast %get3A_1047 : vector<1x16xf32> to vector<16xf32>
        %add3A_1049 = arith.constant 1 : i32
        %add3A_1050 = arith.addi %mul3A_34, %add3A_1049 : i32
        %get3A_1051 = arith.index_cast %add3A_1050 : i32 to index
        %get3A_1052 = arith.constant 112 : index
        %get3A_1053 = tpu.vector_load %arg9[%get3A_1051, %get3A_1052] {strides = array<i32>} : memref<80x128xf32, #tpu.memory_space<vmem>>, vector<1x16xf32>,
        %get3A_1054 = vector.shape_cast %get3A_1053 : vector<1x16xf32> to vector<16xf32>
        %add3A_1055 = arith.addf %get3A_1044, %get3A_1054 : vector<16xf32>
        %add3A_1056 = arith.constant 1 : i32
        %add3A_1057 = arith.addi %mul3A_34, %add3A_1056 : i32
        %get3A_1058 = arith.index_cast %add3A_1057 : i32 to index
        %get3A_1059 = arith.constant 112 : index
        %get3A_1060 = tpu.vector_load %arg10[%get3A_1058, %get3A_1059] {strides = array<i32>} : memref<80x128xf32, #tpu.memory_space<vmem>>, vector<1x16xf32>,
        %get3A_1061 = vector.shape_cast %get3A_1060 : vector<1x16xf32> to vector<16xf32>
        %add3A_1062 = arith.addf %get3A_1048, %get3A_1061 : vector<16xf32>
        %add3A_1063 = arith.constant 2 : i32
        %add3A_1064 = arith.addi %mul3A_34, %add3A_1063 : i32
        %get3A_1065 = arith.index_cast %add3A_1064 : i32 to index
        %get3A_1066 = arith.constant 112 : index
        %get3A_1067 = tpu.vector_load %arg9[%get3A_1065, %get3A_1066] {strides = array<i32>} : memref<80x128xf32, #tpu.memory_space<vmem>>, vector<1x16xf32>,
        %get3A_1068 = vector.shape_cast %get3A_1067 : vector<1x16xf32> to vector<16xf32>
        %add3A_1069 = arith.addf %add3A_1055, %get3A_1068 : vector<16xf32>
        %add3A_1070 = arith.constant 2 : i32
        %add3A_1071 = arith.addi %mul3A_34, %add3A_1070 : i32
        %get3A_1072 = arith.index_cast %add3A_1071 : i32 to index
        %get3A_1073 = arith.constant 112 : index
        %get3A_1074 = tpu.vector_load %arg10[%get3A_1072, %get3A_1073] {strides = array<i32>} : memref<80x128xf32, #tpu.memory_space<vmem>>, vector<1x16xf32>,
        %get3A_1075 = vector.shape_cast %get3A_1074 : vector<1x16xf32> to vector<16xf32>
        %add3A_1076 = arith.addf %add3A_1062, %get3A_1075 : vector<16xf32>
        %add3A_1077 = arith.constant 3 : i32
        %add3A_1078 = arith.addi %mul3A_34, %add3A_1077 : i32
        %get3A_1079 = arith.index_cast %add3A_1078 : i32 to index
        %get3A_1080 = arith.constant 112 : index
        %get3A_1081 = tpu.vector_load %arg9[%get3A_1079, %get3A_1080] {strides = array<i32>} : memref<80x128xf32, #tpu.memory_space<vmem>>, vector<1x16xf32>,
        %get3A_1082 = vector.shape_cast %get3A_1081 : vector<1x16xf32> to vector<16xf32>
        %add3A_1083 = arith.addf %add3A_1069, %get3A_1082 : vector<16xf32>
        %add3A_1084 = arith.constant 3 : i32
        %add3A_1085 = arith.addi %mul3A_34, %add3A_1084 : i32
        %get3A_1086 = arith.index_cast %add3A_1085 : i32 to index
        %get3A_1087 = arith.constant 112 : index
        %get3A_1088 = tpu.vector_load %arg10[%get3A_1086, %get3A_1087] {strides = array<i32>} : memref<80x128xf32, #tpu.memory_space<vmem>>, vector<1x16xf32>,
        %get3A_1089 = vector.shape_cast %get3A_1088 : vector<1x16xf32> to vector<16xf32>
        %add3A_1090 = arith.addf %add3A_1076, %get3A_1089 : vector<16xf32>
        %add3A_1091 = arith.constant 4 : i32
        %add3A_1092 = arith.addi %mul3A_34, %add3A_1091 : i32
        %get3A_1093 = arith.index_cast %add3A_1092 : i32 to index
        %get3A_1094 = arith.constant 112 : index
        %get3A_1095 = tpu.vector_load %arg9[%get3A_1093, %get3A_1094] {strides = array<i32>} : memref<80x128xf32, #tpu.memory_space<vmem>>, vector<1x16xf32>,
        %get3A_1096 = vector.shape_cast %get3A_1095 : vector<1x16xf32> to vector<16xf32>
        %add3A_1097 = arith.addf %add3A_1083, %get3A_1096 : vector<16xf32>
        %add3A_1098 = arith.constant 4 : i32
        %add3A_1099 = arith.addi %mul3A_34, %add3A_1098 : i32
        %get3A_1100 = arith.index_cast %add3A_1099 : i32 to index
        %get3A_1101 = arith.constant 112 : index
        %get3A_1102 = tpu.vector_load %arg10[%get3A_1100, %get3A_1101] {strides = array<i32>} : memref<80x128xf32, #tpu.memory_space<vmem>>, vector<1x16xf32>,
        %get3A_1103 = vector.shape_cast %get3A_1102 : vector<1x16xf32> to vector<16xf32>
        %add3A_1104 = arith.addf %add3A_1090, %get3A_1103 : vector<16xf32>
        %add3A_1105 = arith.constant 5 : i32
        %add3A_1106 = arith.addi %mul3A_34, %add3A_1105 : i32
        %get3A_1107 = arith.index_cast %add3A_1106 : i32 to index
        %get3A_1108 = arith.constant 112 : index
        %get3A_1109 = tpu.vector_load %arg9[%get3A_1107, %get3A_1108] {strides = array<i32>} : memref<80x128xf32, #tpu.memory_space<vmem>>, vector<1x16xf32>,
        %get3A_1110 = vector.shape_cast %get3A_1109 : vector<1x16xf32> to vector<16xf32>
        %add3A_1111 = arith.addf %add3A_1097, %get3A_1110 : vector<16xf32>
        %add3A_1112 = arith.constant 5 : i32
        %add3A_1113 = arith.addi %mul3A_34, %add3A_1112 : i32
        %get3A_1114 = arith.index_cast %add3A_1113 : i32 to index
        %get3A_1115 = arith.constant 112 : index
        %get3A_1116 = tpu.vector_load %arg10[%get3A_1114, %get3A_1115] {strides = array<i32>} : memref<80x128xf32, #tpu.memory_space<vmem>>, vector<1x16xf32>,
        %get3A_1117 = vector.shape_cast %get3A_1116 : vector<1x16xf32> to vector<16xf32>
        %add3A_1118 = arith.addf %add3A_1104, %get3A_1117 : vector<16xf32>
        %add3A_1119 = arith.constant 6 : i32
        %add3A_1120 = arith.addi %mul3A_34, %add3A_1119 : i32
        %get3A_1121 = arith.index_cast %add3A_1120 : i32 to index
        %get3A_1122 = arith.constant 112 : index
        %get3A_1123 = tpu.vector_load %arg9[%get3A_1121, %get3A_1122] {strides = array<i32>} : memref<80x128xf32, #tpu.memory_space<vmem>>, vector<1x16xf32>,
        %get3A_1124 = vector.shape_cast %get3A_1123 : vector<1x16xf32> to vector<16xf32>
        %add3A_1125 = arith.addf %add3A_1111, %get3A_1124 : vector<16xf32>
        %add3A_1126 = arith.constant 6 : i32
        %add3A_1127 = arith.addi %mul3A_34, %add3A_1126 : i32
        %get3A_1128 = arith.index_cast %add3A_1127 : i32 to index
        %get3A_1129 = arith.constant 112 : index
        %get3A_1130 = tpu.vector_load %arg10[%get3A_1128, %get3A_1129] {strides = array<i32>} : memref<80x128xf32, #tpu.memory_space<vmem>>, vector<1x16xf32>,
        %get3A_1131 = vector.shape_cast %get3A_1130 : vector<1x16xf32> to vector<16xf32>
        %add3A_1132 = arith.addf %add3A_1118, %get3A_1131 : vector<16xf32>
        %add3A_1133 = arith.constant 7 : i32
        %add3A_1134 = arith.addi %mul3A_34, %add3A_1133 : i32
        %get3A_1135 = arith.index_cast %add3A_1134 : i32 to index
        %get3A_1136 = arith.constant 112 : index
        %get3A_1137 = tpu.vector_load %arg9[%get3A_1135, %get3A_1136] {strides = array<i32>} : memref<80x128xf32, #tpu.memory_space<vmem>>, vector<1x16xf32>,
        %get3A_1138 = vector.shape_cast %get3A_1137 : vector<1x16xf32> to vector<16xf32>
        %add3A_1139 = arith.addf %add3A_1125, %get3A_1138 : vector<16xf32>
        %add3A_1140 = arith.constant 7 : i32
        %add3A_1141 = arith.addi %mul3A_34, %add3A_1140 : i32
        %get3A_1142 = arith.index_cast %add3A_1141 : i32 to index
        %get3A_1143 = arith.constant 112 : index
        %get3A_1144 = tpu.vector_load %arg10[%get3A_1142, %get3A_1143] {strides = array<i32>} : memref<80x128xf32, #tpu.memory_space<vmem>>, vector<1x16xf32>,
        %get3A_1145 = vector.shape_cast %get3A_1144 : vector<1x16xf32> to vector<16xf32>
        %add3A_1146 = arith.addf %add3A_1132, %get3A_1145 : vector<16xf32>
        %add3A_1147 = arith.constant 8 : i32
        %add3A_1148 = arith.addi %mul3A_34, %add3A_1147 : i32
        %get3A_1149 = arith.index_cast %add3A_1148 : i32 to index
        %get3A_1150 = arith.constant 112 : index
        %get3A_1151 = tpu.vector_load %arg9[%get3A_1149, %get3A_1150] {strides = array<i32>} : memref<80x128xf32, #tpu.memory_space<vmem>>, vector<1x16xf32>,
        %get3A_1152 = vector.shape_cast %get3A_1151 : vector<1x16xf32> to vector<16xf32>
        %add3A_1153 = arith.addf %add3A_1139, %get3A_1152 : vector<16xf32>
        %add3A_1154 = arith.constant 8 : i32
        %add3A_1155 = arith.addi %mul3A_34, %add3A_1154 : i32
        %get3A_1156 = arith.index_cast %add3A_1155 : i32 to index
        %get3A_1157 = arith.constant 112 : index
        %get3A_1158 = tpu.vector_load %arg10[%get3A_1156, %get3A_1157] {strides = array<i32>} : memref<80x128xf32, #tpu.memory_space<vmem>>, vector<1x16xf32>,
        %get3A_1159 = vector.shape_cast %get3A_1158 : vector<1x16xf32> to vector<16xf32>
        %add3A_1160 = arith.addf %add3A_1146, %get3A_1159 : vector<16xf32>
        %add3A_1161 = arith.constant 9 : i32
        %add3A_1162 = arith.addi %mul3A_34, %add3A_1161 : i32
        %get3A_1163 = arith.index_cast %add3A_1162 : i32 to index
        %get3A_1164 = arith.constant 112 : index
        %get3A_1165 = tpu.vector_load %arg9[%get3A_1163, %get3A_1164] {strides = array<i32>} : memref<80x128xf32, #tpu.memory_space<vmem>>, vector<1x16xf32>,
        %get3A_1166 = vector.shape_cast %get3A_1165 : vector<1x16xf32> to vector<16xf32>
        %add3A_1167 = arith.addf %add3A_1153, %get3A_1166 : vector<16xf32>
        %add3A_1168 = arith.constant 9 : i32
        %add3A_1169 = arith.addi %mul3A_34, %add3A_1168 : i32
        %get3A_1170 = arith.index_cast %add3A_1169 : i32 to index
        %get3A_1171 = arith.constant 112 : index
        %get3A_1172 = tpu.vector_load %arg10[%get3A_1170, %get3A_1171] {strides = array<i32>} : memref<80x128xf32, #tpu.memory_space<vmem>>, vector<1x16xf32>,
        %get3A_1173 = vector.shape_cast %get3A_1172 : vector<1x16xf32> to vector<16xf32>
        %add3A_1174 = arith.addf %add3A_1160, %get3A_1173 : vector<16xf32>
        %swap3A_1175 = arith.index_cast %scan3A_32 : i32 to index
        %swap3A_1176 = arith.constant 112 : index
        %swap3A_1177 = tpu.vector_load %arg11[%swap3A_1175, %swap3A_1176] {strides = array<i32>} : memref<8x256xf32, #tpu.memory_space<vmem>>, vector<1x16xf32>,
        %swap3A_1178 = vector.shape_cast %swap3A_1177 : vector<1x16xf32> to vector<16xf32>
        %swap3A_1179 = vector.shape_cast %add3A_1167 : vector<16xf32> to vector<1x16xf32>
        tpu.vector_store %arg11[%swap3A_1175, %swap3A_1176], %swap3A_1179 {strides = array<i32>} : memref<8x256xf32, #tpu.memory_space<vmem>>, vector<1x16xf32>,
        %swap3A_1180 = arith.index_cast %scan3A_32 : i32 to index
        %swap3A_1181 = arith.constant 240 : index
        %swap3A_1182 = tpu.vector_load %arg11[%swap3A_1180, %swap3A_1181] {strides = array<i32>} : memref<8x256xf32, #tpu.memory_space<vmem>>, vector<1x16xf32>,
        %swap3A_1183 = vector.shape_cast %swap3A_1182 : vector<1x16xf32> to vector<16xf32>
        %swap3A_1184 = vector.shape_cast %add3A_1174 : vector<16xf32> to vector<1x16xf32>
        tpu.vector_store %arg11[%swap3A_1180, %swap3A_1181], %swap3A_1184 {strides = array<i32>} : memref<8x256xf32, #tpu.memory_space<vmem>>, vector<1x16xf32>,
      }
      %scan3A_31 = arith.constant 8 : i32
      "tpu.region"() ({
        %run_scoped3A = tpu.sem_alloc : memref<!tpu.dma_semaphore, #tpu.memory_space<semaphore_mem>>
        %dma_start3A_32 = arith.constant 0 : i32
        %dma_start3A_33 = tpu.memref_slice %arg6[%add3A_11, %dma_start3A_32] : memref<50176x256xf32, #tpu.memory_space<hbm>> -> memref<8x256xf32, #tpu.memory_space<hbm>>
        %dma_start3A_34 = arith.constant 0 : i32
        %dma_start3A_35 = tpu.memref_slice %arg6[%add3A_11, %dma_start3A_34] : memref<50176x256xf32, #tpu.memory_space<hbm>> -> memref<8x256xf32, #tpu.memory_space<hbm>>
        tpu.enqueue_dma source(%arg11 : memref<8x256xf32, #tpu.memory_space<vmem>>) target(%dma_start3A_35 : memref<8x256xf32, #tpu.memory_space<hbm>>) target_semaphore(%run_scoped3A : memref<!tpu.dma_semaphore, #tpu.memory_space<semaphore_mem>>)
        %dma_wait3A_36 = arith.constant 0 : i32
        %dma_wait3A_37 = tpu.memref_slice %arg6[%add3A_11, %dma_wait3A_36] : memref<50176x256xf32, #tpu.memory_space<hbm>> -> memref<8x256xf32, #tpu.memory_space<hbm>>
        %dma_wait3A_38 = arith.constant 0 : i32
        %dma_wait3A_39 = tpu.memref_slice %arg6[%add3A_11, %dma_wait3A_38] : memref<50176x256xf32, #tpu.memory_space<hbm>> -> memref<8x256xf32, #tpu.memory_space<hbm>>
        tpu.wait_dma2 semaphore(%run_scoped3A : memref<!tpu.dma_semaphore, #tpu.memory_space<semaphore_mem>>) src(%arg11 : memref<8x256xf32, #tpu.memory_space<vmem>>) dst(%dma_wait3A_39 : memref<8x256xf32, #tpu.memory_space<hbm>>)
        tpu.yield
      }) : () -> ()
    }
    %scan3A_5 = arith.constant 196 : i32
    return
  }
}

module attributes {stable_mosaic.version = 14 : i64} {
  func.func @body(%arg0: i32, %arg1: memref<1000x256xf32, #tpu.memory_space<vmem>>, %arg2: memref<1000x128xf32, #tpu.memory_space<vmem>>, %arg3: memref<1000x1xf32, #tpu.memory_space<vmem>>, %arg4: memref<256x128xf32, #tpu.memory_space<vmem>>, %arg5: memref<256x128xf32, #tpu.memory_space<vmem>>, %arg6: memref<1x128xf32, #tpu.memory_space<vmem>>, %arg7: memref<1x128xf32, #tpu.memory_space<vmem>>, %arg8: memref<1000x128xf32, #tpu.memory_space<vmem>>) attributes {dimension_semantics = [#tpu.dimension_semantics<arbitrary>], iteration_bounds = array<i64: 50>, scalar_prefetch = 0 : i64, scratch_operands = 0 : i64, tpu.core_type = #tpu.core_type<tc>, window_params = [{transform_indices = @transform_0, window_bounds = array<i64: 1000, 256>}, {transform_indices = @transform_1, window_bounds = array<i64: 1000, 128>}, {transform_indices = @transform_2, window_bounds = array<i64: 1000, 1>}, {pipeline_mode = #tpu.pipeline_mode<synchronous>, transform_indices = @transform_3, window_bounds = array<i64: 256, 128>}, {pipeline_mode = #tpu.pipeline_mode<synchronous>, transform_indices = @transform_4, window_bounds = array<i64: 256, 128>}, {pipeline_mode = #tpu.pipeline_mode<synchronous>, transform_indices = @transform_5, window_bounds = array<i64: 1, 128>}, {pipeline_mode = #tpu.pipeline_mode<synchronous>, transform_indices = @transform_6, window_bounds = array<i64: 1, 128>}, {transform_indices = @transform_7, window_bounds = array<i64: 1000, 128>}]} {
    %get3A = arith.constant 0 : index
    %get3A_0 = arith.constant 0 : index
    %get3A_1 = vector.load %arg1[%get3A, %get3A_0] : memref<1000x256xf32, #tpu.memory_space<vmem>>, vector<1000x256xf32>
    %get3A_2 = arith.constant 0 : index
    %get3A_3 = arith.constant 0 : index
    %get3A_4 = vector.load %arg4[%get3A_2, %get3A_3] : memref<256x128xf32, #tpu.memory_space<vmem>>, vector<256x128xf32>
    %dot_general3A = arith.constant dense<0.000000e+00> : vector<1000x128xf32>
    %dot_general3A_5 = tpu.matmul %get3A_1, %get3A_4, %dot_general3A {dimension_numbers = #tpu.dot_dimension_numbers<[1], [0], [0], [1], [0, 0, 1, 1], [], []>, transpose_lhs_hint = false} : vector<1000x256xf32>, vector<256x128xf32>, vector<1000x128xf32> -> vector<1000x128xf32>
    %get3A_6 = arith.constant 0 : index
    %get3A_7 = arith.constant 0 : index
    %get3A_8 = vector.load %arg6[%get3A_6, %get3A_7] : memref<1x128xf32, #tpu.memory_space<vmem>>, vector<1x128xf32>
    %mul3A = arith.constant 1.000000e+01 : f32
    %mul3A_9 = vector.broadcast %mul3A : f32 to vector<1x128xf32>
    %mul3A_10 = arith.mulf %mul3A_9, %get3A_8 : vector<1x128xf32>
    %add3A = vector.broadcast %mul3A_10 : vector<1x128xf32> to vector<1000x128xf32>
    %add3A_11 = arith.addf %dot_general3A_5, %add3A : vector<1000x128xf32>
    %get3A_12 = arith.constant 0 : index
    %get3A_13 = arith.constant 0 : index
    %get3A_14 = vector.load %arg3[%get3A_12, %get3A_13] : memref<1000x1xf32, #tpu.memory_space<vmem>>, vector<1000x1xf32>
    %div3A = vector.broadcast %get3A_14 : vector<1000x1xf32> to vector<1000x128xf32>
    %div3A_15 = arith.divf %add3A_11, %div3A : vector<1000x128xf32>
    %get3A_16 = arith.constant 0 : index
    %get3A_17 = arith.constant 0 : index
    %get3A_18 = vector.load %arg5[%get3A_16, %get3A_17] : memref<256x128xf32, #tpu.memory_space<vmem>>, vector<256x128xf32>
    %get3A_19 = arith.constant 0 : index
    %get3A_20 = arith.constant 0 : index
    %get3A_21 = vector.load %arg2[%get3A_19, %get3A_20] : memref<1000x128xf32, #tpu.memory_space<vmem>>, vector<1000x128xf32>
    %slice3A = vector.extract_strided_slice %get3A_18 {offsets = [0, 0], sizes = [128, 128], strides = [1, 1]} : vector<256x128xf32> to vector<128x128xf32>
    %dot_general3A_22 = arith.constant dense<0.000000e+00> : vector<1000x128xf32>
    %dot_general3A_23 = tpu.matmul %get3A_21, %slice3A, %dot_general3A_22 {dimension_numbers = #tpu.dot_dimension_numbers<[1], [0], [0], [1], [0, 0, 1, 1], [], []>, transpose_lhs_hint = false} : vector<1000x128xf32>, vector<128x128xf32>, vector<1000x128xf32> -> vector<1000x128xf32>
    %slice3A_24 = vector.extract_strided_slice %get3A_18 {offsets = [128, 0], sizes = [128, 128], strides = [1, 1]} : vector<256x128xf32> to vector<128x128xf32>
    %dot_general3A_25 = arith.constant dense<0.000000e+00> : vector<1000x128xf32>
    %dot_general3A_26 = tpu.matmul %div3A_15, %slice3A_24, %dot_general3A_25 {dimension_numbers = #tpu.dot_dimension_numbers<[1], [0], [0], [1], [0, 0, 1, 1], [], []>, transpose_lhs_hint = false} : vector<1000x128xf32>, vector<128x128xf32>, vector<1000x128xf32> -> vector<1000x128xf32>
    %add3A_27 = arith.addf %dot_general3A_23, %dot_general3A_26 : vector<1000x128xf32>
    %get3A_28 = arith.constant 0 : index
    %get3A_29 = arith.constant 0 : index
    %get3A_30 = vector.load %arg7[%get3A_28, %get3A_29] : memref<1x128xf32, #tpu.memory_space<vmem>>, vector<1x128xf32>
    %add3A_31 = vector.broadcast %get3A_30 : vector<1x128xf32> to vector<1000x128xf32>
    %add3A_32 = arith.addf %add3A_27, %add3A_31 : vector<1000x128xf32>
    %tanh3A = math.tanh %add3A_32 : vector<1000x128xf32>
    %swap3A = arith.constant 0 : index
    %swap3A_33 = arith.constant 0 : index
    %swap3A_34 = vector.load %arg8[%swap3A, %swap3A_33] : memref<1000x128xf32, #tpu.memory_space<vmem>>, vector<1000x128xf32>
    tpu.vector_store %arg8[%swap3A, %swap3A_33], %tanh3A {strides = array<i32>} : memref<1000x128xf32, #tpu.memory_space<vmem>>, vector<1000x128xf32>,
    return
  }
  func.func @transform_0(%arg0: i32) -> (i32, i32) {
    %c0_i32 = arith.constant 0 : i32
    %c0_i32_0 = arith.constant 0 : i32
    return %arg0, %c0_i32 : i32, i32
  }
  func.func @transform_1(%arg0: i32) -> (i32, i32) {
    %c0_i32 = arith.constant 0 : i32
    %c0_i32_0 = arith.constant 0 : i32
    return %arg0, %c0_i32 : i32, i32
  }
  func.func @transform_2(%arg0: i32) -> (i32, i32) {
    %c0_i32 = arith.constant 0 : i32
    %c0_i32_0 = arith.constant 0 : i32
    return %arg0, %c0_i32 : i32, i32
  }
  func.func @transform_3(%arg0: i32) -> (i32, i32) {
    %c0_i32 = arith.constant 0 : i32
    %c0_i32_0 = arith.constant 0 : i32
    %c0_i32_1 = arith.constant 0 : i32
    return %c0_i32, %c0_i32_0 : i32, i32
  }
  func.func @transform_4(%arg0: i32) -> (i32, i32) {
    %c0_i32 = arith.constant 0 : i32
    %c0_i32_0 = arith.constant 0 : i32
    %c0_i32_1 = arith.constant 0 : i32
    return %c0_i32, %c0_i32_0 : i32, i32
  }
  func.func @transform_5(%arg0: i32) -> (i32, i32) {
    %c0_i32 = arith.constant 0 : i32
    %c0_i32_0 = arith.constant 0 : i32
    %c0_i32_1 = arith.constant 0 : i32
    return %c0_i32, %c0_i32_0 : i32, i32
  }
  func.func @transform_6(%arg0: i32) -> (i32, i32) {
    %c0_i32 = arith.constant 0 : i32
    %c0_i32_0 = arith.constant 0 : i32
    %c0_i32_1 = arith.constant 0 : i32
    return %c0_i32, %c0_i32_0 : i32, i32
  }
  func.func @transform_7(%arg0: i32) -> (i32, i32) {
    %c0_i32 = arith.constant 0 : i32
    %c0_i32_0 = arith.constant 0 : i32
    return %arg0, %c0_i32 : i32, i32
  }
}

</mosaic_0001>

<sc_bundles>
// kernel: kernel.4.cloned.1.call-start
scs
__scs_entry_jumppad:
0x0: {  	(pc) =	sbr.rel $0x88, $3  }
0x1: {  	(tag) =	ssettag $0x0;
	lr =	simm.s32 $0x1  }
0x2: {  	[smem:$0x3F98] =	sst lr;
	_ =	strace $0xD0000000  }
0x3: {  	_ = 	snop  }
0x4: {  	_ = 	snop  }
0x5: {  	_ = 	snop  }
0x6: {  	_ = 	snop  }
0x7: {  	_ = 	snop  }
__scs_overlays_trampoline_lowered:
0x8: {  	[smem:$0x3FA7] =	sst s0  }
0x9: {  	[smem:$0x3FA8] =	sst s1  }
0xa: {  	[smem:$0x3FA9] =	sst s2  }
0xb: {  	[smem:$0x3FAA] =	sst s3  }
0xc: {  	[smem:$0x3FAB] =	sst s4  }
0xd: {  	[smem:$0x3FAC] =	sst s5  }
0xe: {  	[smem:$0x3FAD] =	sst s6  }
0xf: {  	[smem:$0x3FAE] =	sst s7  }
0x10: {  	[smem:$0x3FAF] =	sst s8  }
0x11: {  	[smem:$0x3FB0] =	sst s9;
	s0 =	simm.s32 @!p0 $0x0  }
0x12: {  	s1 =	sld [smem:$0x3F96];
	s0 =	simm.s32 @p0 $0x1  }
0x13: {  	[smem:$0x3FB1] =	sst s0;
	s0 =	simm.s32 @!p1 $0x0  }
0x14: {  	s2 =	sld [smem:$0x3F95];
	s0 =	simm.s32 @p1 $0x1  }
0x15: {  	[smem:$0x3FB2] =	sst s0;
	s0 =	simm.s32 @!p2 $0x0  }
0x16: {  	s3 =	sld [smem:$0x3FDB];
	s0 =	simm.s32 @p2 $0x1  }
0x17: {  	s4 =	simm.s32 $0x1BF5;
	[smem:$0x3FB4] =	sst s0  }
0x18: {  	s0 =	sld [smem:$0x3F97];
	_ =	swait.ge [sflag:s4], $0x0  }
0x19: {  	s7 =	sld [smem:$0x3F98]  }
0x1a: {  	s8 =	sadd.s32 $0xFFFFE003, lr  }
0x1b: {  	s9 =	sadd.s32 $0xFFFFFEF7, lr;
	s5 =	simm.s32 $0xFFFFFFFF;
	p2 =	slt.u32 s8, $0xFFFFF086  }
0x1c: {  	p1 =	slt.u32 s9, $0xF7A;
	s5 =	simm.s32 @!p2 $0x0  }
0x1d: {  	s5 =	simm.s32 @p1 $0x1;
	p0 =	seq.s32 s7, s2  }
0x1e: {  	s7 =	smul.u32 @!p0 $0xF7A, s2;
	p2 =	seq.s32 @!p0 s5, $0x0  }
0x1f: {  	s9 =	smul.u32 $0xF7A, s1;
	s8 =	simm.s32 @!p0 $0x1BF5;
	p2 =	por !p2, p0  }
0x20: {  	[sflag:s8] =	ssyncset.s32 @!p0 $0xFFFFF086;
	s6 =	sadd.s32 @!p0 s3, s7;
	s7 =	simm.s32 @!p0 $0x108  }
0x21: {  	s3 =	sadd.s32 s3, s9;
	s6 =	sadd.s32 @!p0 $0x88, s6;
	s7 =	simm.s32 @p2 $0x1082  }
0x22: {  	[simem:s7], [sflag:s8] =	dma.local @!p0 [hbm:s6], $0xF7A  }
0x23: {  	s9 =	sor.u32 $0xD0000000, s2;
	s6 =	simm.s32 $0x108;
	_ =	swait.ge @!p0 [sflag:s8], $0x0  }
0x24: {  	s3 =	sadd.s32 $0x88, s3;
	s6 =	simm.s32 @!p1 $0x1082;
	[sflag:s4] =	ssyncset.s32 $0xFFFFF086  }
0x25: {  	[simem:s6], [sflag:s4] =	dma.local [hbm:s3], $0xF7A  }
0x26: {  	[smem:$0x3F98] =	sst s1;
	(tag) =	ssettag s2;
	_ =	strace s9  }
0x27: {  	s1 =	sld [smem:$0x3FA8]  }
0x28: {  	s2 =	sld [smem:$0x3FA9]  }
0x29: {  	s4 =	sld [smem:$0x3FAB]  }
0x2a: {  	p0 =	seq.s32 s5, $0x0;
	s5 =	sld [smem:$0x3FAC]  }
0x2b: {  	s6 =	sld [smem:$0x3FAD]  }
0x2c: {  	s7 =	sld [smem:$0x3FAE]  }
0x2d: {  	s3 =	simm.s32 $0x108;
	s8 =	sld [smem:$0x3FAF]  }
0x2e: {  	s3 =	simm.s32 @!p0 $0x1082;
	s9 =	sld [smem:$0x3FB0]  }
0x2f: {  	lr =	sadd.s32 s0, s3;
	s0 =	sld [smem:$0x3FA7]  }
0x30: {  	s3 =	sld [smem:$0x3FAA]  }
0x31: {  	[smem:$0x3FB3] =	sst s10  }
0x32: {  	s10 =	sld [smem:$0x3FB1];
	_ =	sdelay $0x3  }
0x33: {  	p0 =	seq.s32 s10, $0x1;
	s10 =	sld [smem:$0x3FB3];
	_ =	sdelay $0x3  }
0x34: {  	[smem:$0x3FB3] =	sst s10  }
0x35: {  	s10 =	sld [smem:$0x3FB2];
	_ =	sdelay $0x3  }
0x36: {  	p1 =	seq.s32 s10, $0x1;
	s10 =	sld [smem:$0x3FB3];
	_ =	sdelay $0x3  }
0x37: {  	[smem:$0x3FB3] =	sst s10  }
0x38: {  	s10 =	sld [smem:$0x3FB4]  }
0x39: {  	_ = 	snop;
	(pc) =	sbr.ind lr, $3  }
0x3a: {  	_ = 	snop  }
0x3b: {  	_ = 	snop  }
0x3c: {  	p2 =	seq.s32 s10, $0x1;
	s10 =	sld [smem:$0x3FB3]  }
0x3d: {  	_ =	shalt  }
0x3e: {  	_ =	shalt  }
0x3f: {  	_ =	shalt  }
0x40: {  	_ =	shalt  }
0x41: {  	_ =	shalt  }
0x42: {  	_ =	shalt  }
0x43: {  	_ =	shalt  }
0x44: {  	_ =	shalt  }
0x45: {  	_ =	shalt  }
0x46: {  	_ =	shalt  }
0x47: {  	_ =	shalt  }
0x48: {  	_ =	shalt  }
0x49: {  	_ =	shalt  }
0x4a: {  	_ =	shalt  }
0x4b: {  	_ =	shalt  }
0x4c: {  	_ =	shalt  }
0x4d: {  	_ =	shalt  }
0x4e: {  	_ =	shalt  }
0x4f: {  	_ =	shalt  }
0x50: {  	_ =	shalt  }
0x51: {  	_ =	shalt  }
0x52: {  	_ =	shalt  }
0x53: {  	_ =	shalt  }
0x54: {  	_ =	shalt  }
0x55: {  	_ =	shalt  }
0x56: {  	_ =	shalt  }
0x57: {  	_ =	shalt  }
0x58: {  	_ =	shalt  }
0x59: {  	_ =	shalt  }
0x5a: {  	_ =	shalt  }
0x5b: {  	_ =	shalt  }
0x5c: {  	_ =	shalt  }
0x5d: {  	_ =	shalt  }
0x5e: {  	_ =	shalt  }
0x5f: {  	_ =	shalt  }
0x60: {  	_ =	shalt  }
0x61: {  	_ =	shalt  }
0x62: {  	_ =	shalt  }
0x63: {  	_ =	shalt  }
0x64: {  	_ =	shalt  }
0x65: {  	_ =	shalt  }
0x66: {  	_ =	shalt  }
0x67: {  	_ =	shalt  }
0x68: {  	_ =	shalt  }
0x69: {  	_ =	shalt  }
0x6a: {  	_ =	shalt  }
0x6b: {  	_ =	shalt  }
0x6c: {  	_ =	shalt  }
0x6d: {  	_ =	shalt  }
0x6e: {  	_ =	shalt  }
0x6f: {  	_ =	shalt  }
0x70: {  	_ =	shalt  }
0x71: {  	_ =	shalt  }
0x72: {  	_ =	shalt  }
0x73: {  	_ =	shalt  }
0x74: {  	_ =	shalt  }
0x75: {  	_ =	shalt  }
0x76: {  	_ =	shalt  }
0x77: {  	_ =	shalt  }
0x78: {  	_ =	shalt  }
0x79: {  	_ =	shalt  }
0x7a: {  	_ =	shalt  }
0x7b: {  	_ =	shalt  }
0x7c: {  	_ =	shalt  }
0x7d: {  	_ =	shalt  }
0x7e: {  	_ =	shalt  }
0x7f: {  	_ =	shalt  }
0x80: {  	_ =	shalt  }
0x81: {  	_ =	shalt  }
0x82: {  	_ =	shalt  }
0x83: {  	_ =	shalt  }
0x84: {  	_ =	shalt  }
0x85: {  	_ =	shalt  }
0x86: {  	_ =	shalt  }
0x87: {  	_ =	shalt  }
.Lfunc_end0:
.L_simem_size_0:
called_computation_lowered:
.L_overlay_start_0:
0x88: {  	s2 =	sld [smem:$0x3FD9]  }
0x89: {  	s3 =	sld [smem:$0x3FFE];
	_ =	sdelay $0x1  }
0x8a: {  	s1 =	srdreg.scid  }
0x8b: {  	s0 =	sand.u32 $0x1, s1  }
0x8c: {  	s17 =	sshll.u32 s0, $0xA;
	s2 =	sadd.s32 s3, s2  }
0x8d: {  	s2 =	sadd.s32 s2, s17  }
0x8e: {  	[smem:$0x3FBF] =	sst s2  }
0x8f: {  	_ = 	snop  }
0x90: {  	s2 =	sld [smem:$0x3FC6]  }
0x91: {  	s18 =	sld [smem:$0x3FC5]  }
0x92: {  	s4 =	sld [smem:$0x3FD0];
	(tm) =	ssettm $0x1  }
0x93: {  	s5 =	sld [smem:$0x3FFB];
	_ =	sdelay $0x3  }
0x94: {  	_ =	strace s5  }
0x95: {  	s5 =	sld [smem:$0x3FFC];
	_ =	sdelay $0x3  }
0x96: {  	_ =	strace s5  }
0x97: {  	s5 =	sld [smem:$0x3FFD];
	_ =	sdelay $0x3  }
0x98: {  	_ =	strace s5  }
0x99: {  	_ =	strace $0x8FFFFFFF  }
0x9a: {  	s19 =	sld [smem:$0x3FDB];
	_ =	sdelay $0x1  }
0x9b: {  	s6 =	simm.s32 $_scs_section_size  }
0x9c: {  	s7 =	simm.s32 $_size__tile_overlayer_lowered;
	s8 =	simm.s32 $_tile_overlayer_lowered  }
0x9d: {  	s22 =	simm.s32 $0x1BFF;
	s21 =	sshll.u32 s8, $0x1;
	s5 =	sadd.s32 s6, s19  }
0x9e: {  	s9 =	simm.s32 $0x0;
	s20 =	sshll.u32 s7, $0x1;
	s7 =	sadd.s32 s21, s5  }
0x9f: {  	[timem:s9], [sflag:s22] =	dma.local [hbm:s7], s20  }
0xa0: {  	_ =	swait.ge [sflag:s22], s20  }
0xa1: {  	s6 =	ssub.s32 $0x0, s20;
	[sflag:s22] =	ssyncset.done $0x0  }
0xa2: {  	[sflag:s22] =	ssyncadd.s32 s6;
	_ =	sdelay $0x1  }
0xa3: {  	s23 =	simm.s32 $0x1B8B  }
0xa4: {  	_ =	swait.ge [sflag:s23], $0x1  }
0xa5: {  	[sflag:s23] =	ssyncset.done $0x0  }
0xa6: {  	s25 =	simm.s32 $0x1B8E;
	s24 =	sld [smem:$0x3FFE];
	[sflag:s23] =	ssyncadd.s32 $0xFFFFFFFF  }
0xa7: {  	s26 =	simm.s32 $execute0_lowered;
	[smem:$0x3FD2] =	sst s25  }
0xa8: {  	s7 =	sshll.u32 s26, $0x1;
	_ =	strace $0x80000046;
	[dreg:$0x1] =	wrdreg $0xFFFFFFFF  }
0xa9: {  	s28 =	simm.s32 $_size_execute0_lowered;
	s5 =	sadd.s32 s5, s7;
	[dreg:$0x0] =	wrdreg $0x0  }
0xaa: {  	s7 =	sshll.u32 s28, $0x1;
	[dreg:$0x2] =	wrdreg s5  }
0xab: {  	[dreg:$0x3] =	wrdreg s7  }
0xac: {  	[dreg:$0x4] =	wrdreg $0xC0  }
0xad: {  	_ =	task [dreg:s9], $0x5FFFF  }
0xae: {  	[dreg:$0x1] =	wrdreg $0xFFFFFFFF  }
0xaf: {  	[dreg:$0x0] =	wrdreg $0x60  }
0xb0: {  	[dreg:$0x2] =	wrdreg s24  }
0xb1: {  	[dreg:$0x3] =	wrdreg s4  }
0xb2: {  	[dreg:$0x4] =	wrdreg s18  }
0xb3: {  	[dreg:$0x5] =	wrdreg s2  }
0xb4: {  	[dreg:$0x6] =	wrdreg $0x9  }
0xb5: {  	_ =	task.clear_ibuf [dreg:s9], $0x7FFFF;
	_ =	strace $0x90000046  }
0xb6: {  	s29 =	simm.s32 $0x9;
	_ =	strace $0x80000048  }
0xb7: {  	_ =	swait.ge [sflag:s29], $0x1  }
0xb8: {  	[sflag:s29] =	ssyncadd.s32 $0xFFFFFFFF  }
0xb9: {  	_ =	strace $0x90000048  }
0xba: {  	_ =	sfence  }
0xbb: {  	s30 =	sld [smem:$0x0];
	_ =	sdelay $0x2  }
0xbc: {  	s31 =	sshll.u32 s1, $0xD;
	s1 =	sshrl.u32 s1, $0x2  }
0xbd: {  	s3 =	sand.u32 $0x4000, s31;
	s1 =	sadd.s32 s1, s30  }
0xbe: {  	s0 =	sor.u32 s3, s0;
	s1 =	sshll.u32 s1, $0x11  }
0xbf: {  	s0 =	sor.u32 s1, s0  }
0xc0: {  	s0 =	sadd.s32 $0x8F2B, s0  }
0xc1: {  	[sflag:s0] =	ssyncadd.remote.s32 $0x1  }
0xc2: {  	_ =	sfence.sel $0xFFFF  }
0xc3: {  	[dreg:$0x0] =	wrdreg $0xFFFFFFFF;
	(pc) =	sbr.abs _section_cstart, $3  }
0xc4: {  	[dreg:$0x1] =	wrdreg $0xFFFFFFFF  }
0xc5: {  	_ =	task.clear_ibuf [dreg:s9], $0x2FFFF;
	_ =	strace $0x9FFFFFFF  }
0xc6: {  	(tm) =	ssettm $0x7FFFFFFF  }
0xc7: {  	_ =	shalt  }
tec
execute0_lowered:
.L_overlay_start_1:
0x0: {  	(tag) =	ssettag $0x1  }
0x1: {  	s7 =	rddreg [dreg:$0x0]  }
0x2: {  	s1 =	rddreg [dreg:$0x1]  }
0x3: {  	s2 =	rddreg [dreg:$0x2]  }
0x4: {  	s3 =	rddreg [dreg:$0x3];
	s4 =	srdreg.scid  }
0x5: {  	s0 =	rddreg [dreg:$0x4];
	s5 =	simm.s32 $0x0;
	s12 =	simm.s32 $0x50  }
0x6: {  	s13 =	simm.s32 $0x100;
	s14 =	simm.s32 $0x2900;
	s15 =	simm.s32 $0x1  }
0x7: {  	s16 =	simm.s32 $0x2;
	s17 =	simm.s32 $0x5100;
	s18 =	simm.s32 $0x0  }
0x8: {  	s8 =	sand.u32 $0x1, s4;
	[smem:$0x7FF] =	sst s5;
	s4 =	stileid.u32  }
0x9: {  	s6 =	sadd.s32 $0x1000, s7;
	s7 =	sadd.s32 $0x10600, s7;
	s9 =	ssub.s32 $0x2, s8  }
0xa: {  	_ =	strace $0x80000047;
	s11 =	sshll.u32 s4, $0x1;
	s10 =	sshrl.u32 s9, $0x1  }
0xb: {  	s8 =	sor.u32 s8, s11;
	s11 =	simm.s32 $0x80;
	s9 =	ssub.s32 s9, s10  }
0xc: {  	s8 =	smul.u32 $0x620, s8;
	s10 =	simm.s32 $0x3;
	s9 =	smax.u32 s9, $0x1  }
.LBB2_1:
0xd: {  	s19 =	simm.s32 $0x0  }
.LBB2_2:
0xe: {  	s20 =	sshll.u32 s19, $0x3  }
0xf: {  	s20 =	sadd.s32 s8, s20  }
0x10: {  	s21 =	smul.u32 $0xA, s20;
	_ =	sdelay $0x1  }
0x11: {  	s21 =	sshrl.u32 s21, $0x3  }
0x12: {  	s22 =	sadd.s32 s6, s21  }
0x13: {  	[tilespmem:s5], [sflag:$0x3] =	stream.linear.gather [hbm4b:s22+s5], $0x50, $0x38;
	[tilespmem:$0x5900] =	vst v63  }
0x14: {  	_ =	swait.ge [sflag:s10], $0x50  }
0x15: {  	[sflag:s10] =	ssyncset.done $0x0  }
0x16: {  	s21 =	sadd.s32 s1, s21;
	[sflag:s10] =	ssyncadd.s32 $0xFFFFFFB0  }
0x17: {  	[tilespmem:s11], [sflag:$0x3] =	stream.linear.gather [hbm4b:s21+s5], $0x50, $0x38;
	[tilespmem:$0x5900] =	vst v63  }
0x18: {  	_ =	swait.ge [sflag:s10], $0x50  }
0x19: {  	[sflag:s10] =	ssyncset.done $0x0  }
0x1a: {  	[sflag:s10] =	ssyncadd.s32 $0xFFFFFFB0  }
0x1b: {  	[tilespmem:s13], [sflag:$0x1] =	stream.indirect.gather [hbm4b:s2+s12], $0x80, s5, s12, $0xb8;
	[tilespmem:$0x5900] =	vst v63  }
0x1c: {  	_ = 	snop  }
0x1d: {  	[tilespmem:s14], [sflag:$0x2] =	stream.indirect.gather [hbm4b:s3+s12], $0x80, s11, s12, $0xb8;
	[tilespmem:$0x5900] =	vst v63  }
0x1e: {  	_ =	swait.ge [sflag:s15], $0x2800  }
0x1f: {  	[sflag:s15] =	ssyncset.done $0x0  }
0x20: {  	[sflag:s15] =	ssyncadd.s32 $0xFFFFD800  }
0x21: {  	_ =	swait.ge [sflag:s16], $0x2800  }
0x22: {  	[sflag:s16] =	ssyncset.done $0x0  }
0x23: {  	s22 =	simm.s32 $0x5500;
	s21 =	simm.s32 $0x13C0;
	[sflag:s16] =	ssyncadd.s32 $0xFFFFD800  }
.LBB2_3:
0x24: {  	s23 =	sshra.s32 s21, $0x2  }
0x25: {  	v0 =	vld [tilespmem:s23+$0xFFFFFC10]  }
0x26: {  	v1 =	vld [tilespmem:s23+$0x2410]  }
0x27: {  	v2 =	vld [tilespmem:s23+$0xFFFFFC90]  }
0x28: {  	v3 =	vld [tilespmem:s23+$0x2490]  }
0x29: {  	v4 =	vld [tilespmem:s23+$0xFFFFFD10]  }
0x2a: {  	v5 =	vld [tilespmem:s23+$0x2510]  }
0x2b: {  	v6 =	vld [tilespmem:s23+$0xFFFFFD90]  }
0x2c: {  	v36 =	vld [tilespmem:s23+$0x2590];
	v0 =	vadd.f32 v2, v0  }
0x2d: {  	v37 =	vld [tilespmem:s23+$0xFFFFFE10];
	v1 =	vadd.f32 v3, v1  }
0x2e: {  	v38 =	vld [tilespmem:s23+$0x2610];
	v0 =	vadd.f32 v4, v0  }
0x2f: {  	v39 =	vld [tilespmem:s23+$0xFFFFFE90];
	v1 =	vadd.f32 v5, v1  }
0x30: {  	v40 =	vld [tilespmem:s23+$0x2690];
	v0 =	vadd.f32 v6, v0  }
0x31: {  	v41 =	vld [tilespmem:s23+$0xFFFFFF10];
	v1 =	vadd.f32 v36, v1  }
0x32: {  	v42 =	vld [tilespmem:s23+$0x2710];
	v0 =	vadd.f32 v37, v0  }
0x33: {  	v43 =	vld [tilespmem:s23+$0xFFFFFF90];
	v1 =	vadd.f32 v38, v1  }
0x34: {  	v44 =	vld [tilespmem:s23+$0x2790];
	v0 =	vadd.f32 v39, v0  }
0x35: {  	v45 =	vld [tilespmem:s23+$0x10];
	v1 =	vadd.f32 v40, v1  }
0x36: {  	v46 =	vld [tilespmem:s23+$0x2810];
	v0 =	vadd.f32 v41, v0  }
0x37: {  	v47 =	vld [tilespmem:s23+$0x90];
	v1 =	vadd.f32 v42, v1  }
0x38: {  	v48 =	vld [tilespmem:s23+$0x2890];
	v0 =	vadd.f32 v43, v0  }
0x39: {  	v1 =	vadd.f32 v44, v1  }
0x3a: {  	v0 =	vadd.f32 v45, v0  }
0x3b: {  	v1 =	vadd.f32 v46, v1  }
0x3c: {  	v0 =	vadd.f32 v47, v0  }
0x3d: {  	v1 =	vadd.f32 v48, v1  }
0x3e: {  	[tilespmem:s22+$0xFFFFFC00] =	vst v0  }
0x3f: {  	[tilespmem:s22+$0x0] =	vst v1  }
0x40: {  	v0 =	vld [tilespmem:s23+$0xFFFFFC20]  }
0x41: {  	v1 =	vld [tilespmem:s23+$0x2420]  }
0x42: {  	v49 =	vld [tilespmem:s23+$0xFFFFFCA0]  }
0x43: {  	v50 =	vld [tilespmem:s23+$0x24A0]  }
0x44: {  	v51 =	vld [tilespmem:s23+$0xFFFFFD20]  }
0x45: {  	v52 =	vld [tilespmem:s23+$0x2520]  }
0x46: {  	v53 =	vld [tilespmem:s23+$0xFFFFFDA0]  }
0x47: {  	v54 =	vld [tilespmem:s23+$0x25A0];
	v0 =	vadd.f32 v49, v0  }
0x48: {  	v55 =	vld [tilespmem:s23+$0xFFFFFE20];
	v1 =	vadd.f32 v50, v1  }
0x49: {  	v56 =	vld [tilespmem:s23+$0x2620];
	v0 =	vadd.f32 v51, v0  }
0x4a: {  	v57 =	vld [tilespmem:s23+$0xFFFFFEA0];
	v1 =	vadd.f32 v52, v1  }
0x4b: {  	v58 =	vld [tilespmem:s23+$0x26A0];
	v0 =	vadd.f32 v53, v0  }
0x4c: {  	v59 =	vld [tilespmem:s23+$0xFFFFFF20];
	v1 =	vadd.f32 v54, v1  }
0x4d: {  	v60 =	vld [tilespmem:s23+$0x2720];
	v0 =	vadd.f32 v55, v0  }
0x4e: {  	v61 =	vld [tilespmem:s23+$0xFFFFFFA0];
	v1 =	vadd.f32 v56, v1  }
0x4f: {  	v62 =	vld [tilespmem:s23+$0x27A0];
	v0 =	vadd.f32 v57, v0  }
0x50: {  	v63 =	vld [tilespmem:s23+$0x20];
	v1 =	vadd.f32 v58, v1  }
0x51: {  	v9 =	vld [tilespmem:s23+$0x2820];
	v0 =	vadd.f32 v59, v0  }
0x52: {  	v10 =	vld [tilespmem:s23+$0xA0];
	v1 =	vadd.f32 v60, v1  }
0x53: {  	v11 =	vld [tilespmem:s23+$0x28A0];
	v0 =	vadd.f32 v61, v0  }
0x54: {  	v1 =	vadd.f32 v62, v1  }
0x55: {  	v0 =	vadd.f32 v63, v0  }
0x56: {  	v1 =	vadd.f32 v9, v1  }
0x57: {  	v0 =	vadd.f32 v10, v0  }
0x58: {  	v1 =	vadd.f32 v11, v1  }
0x59: {  	[tilespmem:s22+$0xFFFFFC10] =	vst v0  }
0x5a: {  	[tilespmem:s22+$0x10] =	vst v1  }
0x5b: {  	v0 =	vld [tilespmem:s23+$0xFFFFFC30]  }
0x5c: {  	v1 =	vld [tilespmem:s23+$0x2430]  }
0x5d: {  	v12 =	vld [tilespmem:s23+$0xFFFFFCB0]  }
0x5e: {  	v13 =	vld [tilespmem:s23+$0x24B0]  }
0x5f: {  	v14 =	vld [tilespmem:s23+$0xFFFFFD30]  }
0x60: {  	v15 =	vld [tilespmem:s23+$0x2530]  }
0x61: {  	v16 =	vld [tilespmem:s23+$0xFFFFFDB0]  }
0x62: {  	v17 =	vld [tilespmem:s23+$0x25B0];
	v0 =	vadd.f32 v12, v0  }
0x63: {  	v18 =	vld [tilespmem:s23+$0xFFFFFE30];
	v1 =	vadd.f32 v13, v1  }
0x64: {  	v19 =	vld [tilespmem:s23+$0x2630];
	v0 =	vadd.f32 v14, v0  }
0x65: {  	v20 =	vld [tilespmem:s23+$0xFFFFFEB0];
	v1 =	vadd.f32 v15, v1  }
0x66: {  	v21 =	vld [tilespmem:s23+$0x26B0];
	v0 =	vadd.f32 v16, v0  }
0x67: {  	v22 =	vld [tilespmem:s23+$0xFFFFFF30];
	v1 =	vadd.f32 v17, v1  }
0x68: {  	v23 =	vld [tilespmem:s23+$0x2730];
	v0 =	vadd.f32 v18, v0  }
0x69: {  	v24 =	vld [tilespmem:s23+$0xFFFFFFB0];
	v1 =	vadd.f32 v19, v1  }
0x6a: {  	v25 =	vld [tilespmem:s23+$0x27B0];
	v0 =	vadd.f32 v20, v0  }
0x6b: {  	v26 =	vld [tilespmem:s23+$0x30];
	v1 =	vadd.f32 v21, v1  }
0x6c: {  	v27 =	vld [tilespmem:s23+$0x2830];
	v0 =	vadd.f32 v22, v0  }
0x6d: {  	v28 =	vld [tilespmem:s23+$0xB0];
	v1 =	vadd.f32 v23, v1  }
0x6e: {  	v29 =	vld [tilespmem:s23+$0x28B0];
	v0 =	vadd.f32 v24, v0  }
0x6f: {  	v1 =	vadd.f32 v25, v1  }
0x70: {  	v0 =	vadd.f32 v26, v0  }
0x71: {  	v1 =	vadd.f32 v27, v1  }
0x72: {  	v0 =	vadd.f32 v28, v0  }
0x73: {  	v1 =	vadd.f32 v29, v1  }
0x74: {  	[tilespmem:s22+$0xFFFFFC20] =	vst v0  }
0x75: {  	[tilespmem:s22+$0x20] =	vst v1  }
0x76: {  	v0 =	vld [tilespmem:s23+$0xFFFFFC40]  }
0x77: {  	v1 =	vld [tilespmem:s23+$0x2440]  }
0x78: {  	v30 =	vld [tilespmem:s23+$0xFFFFFCC0]  }
0x79: {  	v31 =	vld [tilespmem:s23+$0x24C0]  }
0x7a: {  	v32 =	vld [tilespmem:s23+$0xFFFFFD40]  }
0x7b: {  	v33 =	vld [tilespmem:s23+$0x2540]  }
0x7c: {  	v34 =	vld [tilespmem:s23+$0xFFFFFDC0]  }
0x7d: {  	v35 =	vld [tilespmem:s23+$0x25C0];
	v0 =	vadd.f32 v30, v0  }
0x7e: {  	v36 =	vld [tilespmem:s23+$0xFFFFFE40];
	v1 =	vadd.f32 v31, v1  }
0x7f: {  	v37 =	vld [tilespmem:s23+$0x2640];
	v0 =	vadd.f32 v32, v0  }
0x80: {  	v38 =	vld [tilespmem:s23+$0xFFFFFEC0];
	v1 =	vadd.f32 v33, v1  }
0x81: {  	v39 =	vld [tilespmem:s23+$0x26C0];
	v0 =	vadd.f32 v34, v0  }
0x82: {  	v40 =	vld [tilespmem:s23+$0xFFFFFF40];
	v1 =	vadd.f32 v35, v1  }
0x83: {  	v41 =	vld [tilespmem:s23+$0x2740];
	v0 =	vadd.f32 v36, v0  }
0x84: {  	v42 =	vld [tilespmem:s23+$0xFFFFFFC0];
	v1 =	vadd.f32 v37, v1  }
0x85: {  	v43 =	vld [tilespmem:s23+$0x27C0];
	v0 =	vadd.f32 v38, v0  }
0x86: {  	v44 =	vld [tilespmem:s23+$0x40];
	v1 =	vadd.f32 v39, v1  }
0x87: {  	v45 =	vld [tilespmem:s23+$0x2840];
	v0 =	vadd.f32 v40, v0  }
0x88: {  	v46 =	vld [tilespmem:s23+$0xC0];
	v1 =	vadd.f32 v41, v1  }
0x89: {  	v47 =	vld [tilespmem:s23+$0x28C0];
	v0 =	vadd.f32 v42, v0  }
0x8a: {  	v1 =	vadd.f32 v43, v1  }
0x8b: {  	v0 =	vadd.f32 v44, v0  }
0x8c: {  	v1 =	vadd.f32 v45, v1  }
0x8d: {  	v0 =	vadd.f32 v46, v0  }
0x8e: {  	v1 =	vadd.f32 v47, v1  }
0x8f: {  	[tilespmem:s22+$0xFFFFFC30] =	vst v0  }
0x90: {  	[tilespmem:s22+$0x30] =	vst v1  }
0x91: {  	v0 =	vld [tilespmem:s23+$0xFFFFFC50]  }
0x92: {  	v1 =	vld [tilespmem:s23+$0x2450]  }
0x93: {  	v48 =	vld [tilespmem:s23+$0xFFFFFCD0]  }
0x94: {  	v49 =	vld [tilespmem:s23+$0x24D0]  }
0x95: {  	v50 =	vld [tilespmem:s23+$0xFFFFFD50]  }
0x96: {  	v51 =	vld [tilespmem:s23+$0x2550]  }
0x97: {  	v52 =	vld [tilespmem:s23+$0xFFFFFDD0]  }
0x98: {  	v53 =	vld [tilespmem:s23+$0x25D0];
	v0 =	vadd.f32 v48, v0  }
0x99: {  	v54 =	vld [tilespmem:s23+$0xFFFFFE50];
	v1 =	vadd.f32 v49, v1  }
0x9a: {  	v55 =	vld [tilespmem:s23+$0x2650];
	v0 =	vadd.f32 v50, v0  }
0x9b: {  	v56 =	vld [tilespmem:s23+$0xFFFFFED0];
	v1 =	vadd.f32 v51, v1  }
0x9c: {  	v57 =	vld [tilespmem:s23+$0x26D0];
	v0 =	vadd.f32 v52, v0  }
0x9d: {  	v58 =	vld [tilespmem:s23+$0xFFFFFF50];
	v1 =	vadd.f32 v53, v1  }
0x9e: {  	v59 =	vld [tilespmem:s23+$0x2750];
	v0 =	vadd.f32 v54, v0  }
0x9f: {  	v60 =	vld [tilespmem:s23+$0xFFFFFFD0];
	v1 =	vadd.f32 v55, v1  }
0xa0: {  	v61 =	vld [tilespmem:s23+$0x27D0];
	v0 =	vadd.f32 v56, v0  }
0xa1: {  	v62 =	vld [tilespmem:s23+$0x50];
	v1 =	vadd.f32 v57, v1  }
0xa2: {  	v63 =	vld [tilespmem:s23+$0x2850];
	v0 =	vadd.f32 v58, v0  }
0xa3: {  	v8 =	vld [tilespmem:s23+$0xD0];
	v1 =	vadd.f32 v59, v1  }
0xa4: {  	v9 =	vld [tilespmem:s23+$0x28D0];
	v0 =	vadd.f32 v60, v0  }
0xa5: {  	v1 =	vadd.f32 v61, v1  }
0xa6: {  	v0 =	vadd.f32 v62, v0  }
0xa7: {  	v1 =	vadd.f32 v63, v1  }
0xa8: {  	v0 =	vadd.f32 v8, v0  }
0xa9: {  	v1 =	vadd.f32 v9, v1  }
0xaa: {  	[tilespmem:s22+$0xFFFFFC40] =	vst v0  }
0xab: {  	[tilespmem:s22+$0x40] =	vst v1  }
0xac: {  	v0 =	vld [tilespmem:s23+$0xFFFFFC60]  }
0xad: {  	v1 =	vld [tilespmem:s23+$0x2460]  }
0xae: {  	v10 =	vld [tilespmem:s23+$0xFFFFFCE0]  }
0xaf: {  	v11 =	vld [tilespmem:s23+$0x24E0]  }
0xb0: {  	v12 =	vld [tilespmem:s23+$0xFFFFFD60]  }
0xb1: {  	v13 =	vld [tilespmem:s23+$0x2560]  }
0xb2: {  	v14 =	vld [tilespmem:s23+$0xFFFFFDE0]  }
0xb3: {  	v15 =	vld [tilespmem:s23+$0x25E0];
	v0 =	vadd.f32 v10, v0  }
0xb4: {  	v16 =	vld [tilespmem:s23+$0xFFFFFE60];
	v1 =	vadd.f32 v11, v1  }
0xb5: {  	v17 =	vld [tilespmem:s23+$0x2660];
	v0 =	vadd.f32 v12, v0  }
0xb6: {  	v18 =	vld [tilespmem:s23+$0xFFFFFEE0];
	v1 =	vadd.f32 v13, v1  }
0xb7: {  	v19 =	vld [tilespmem:s23+$0x26E0];
	v0 =	vadd.f32 v14, v0  }
0xb8: {  	v20 =	vld [tilespmem:s23+$0xFFFFFF60];
	v1 =	vadd.f32 v15, v1  }
0xb9: {  	v21 =	vld [tilespmem:s23+$0x2760];
	v0 =	vadd.f32 v16, v0  }
0xba: {  	v22 =	vld [tilespmem:s23+$0xFFFFFFE0];
	v1 =	vadd.f32 v17, v1  }
0xbb: {  	v23 =	vld [tilespmem:s23+$0x27E0];
	v0 =	vadd.f32 v18, v0  }
0xbc: {  	v24 =	vld [tilespmem:s23+$0x60];
	v1 =	vadd.f32 v19, v1  }
0xbd: {  	v25 =	vld [tilespmem:s23+$0x2860];
	v0 =	vadd.f32 v20, v0  }
0xbe: {  	v26 =	vld [tilespmem:s23+$0xE0];
	v1 =	vadd.f32 v21, v1  }
0xbf: {  	v27 =	vld [tilespmem:s23+$0x28E0];
	v0 =	vadd.f32 v22, v0  }
0xc0: {  	v1 =	vadd.f32 v23, v1  }
0xc1: {  	v0 =	vadd.f32 v24, v0  }
0xc2: {  	v1 =	vadd.f32 v25, v1  }
0xc3: {  	v0 =	vadd.f32 v26, v0  }
0xc4: {  	v1 =	vadd.f32 v27, v1  }
0xc5: {  	[tilespmem:s22+$0xFFFFFC50] =	vst v0  }
0xc6: {  	[tilespmem:s22+$0x50] =	vst v1  }
0xc7: {  	v0 =	vld [tilespmem:s23+$0xFFFFFC70]  }
0xc8: {  	v1 =	vld [tilespmem:s23+$0x2470]  }
0xc9: {  	v28 =	vld [tilespmem:s23+$0xFFFFFCF0]  }
0xca: {  	v29 =	vld [tilespmem:s23+$0x24F0]  }
0xcb: {  	v30 =	vld [tilespmem:s23+$0xFFFFFD70]  }
0xcc: {  	v31 =	vld [tilespmem:s23+$0x2570]  }
0xcd: {  	v32 =	vld [tilespmem:s23+$0xFFFFFDF0]  }
0xce: {  	v33 =	vld [tilespmem:s23+$0x25F0];
	v0 =	vadd.f32 v28, v0  }
0xcf: {  	v34 =	vld [tilespmem:s23+$0xFFFFFE70];
	v1 =	vadd.f32 v29, v1  }
0xd0: {  	v35 =	vld [tilespmem:s23+$0x2670];
	v0 =	vadd.f32 v30, v0  }
0xd1: {  	v36 =	vld [tilespmem:s23+$0xFFFFFEF0];
	v1 =	vadd.f32 v31, v1  }
0xd2: {  	v37 =	vld [tilespmem:s23+$0x26F0];
	v0 =	vadd.f32 v32, v0  }
0xd3: {  	v38 =	vld [tilespmem:s23+$0xFFFFFF70];
	v1 =	vadd.f32 v33, v1  }
0xd4: {  	v39 =	vld [tilespmem:s23+$0x2770];
	v0 =	vadd.f32 v34, v0  }
0xd5: {  	v40 =	vld [tilespmem:s23+$0xFFFFFFF0];
	v1 =	vadd.f32 v35, v1  }
0xd6: {  	v41 =	vld [tilespmem:s23+$0x27F0];
	v0 =	vadd.f32 v36, v0  }
0xd7: {  	v42 =	vld [tilespmem:s23+$0x70];
	v1 =	vadd.f32 v37, v1  }
0xd8: {  	v43 =	vld [tilespmem:s23+$0x2870];
	v0 =	vadd.f32 v38, v0  }
0xd9: {  	v44 =	vld [tilespmem:s23+$0xF0];
	v1 =	vadd.f32 v39, v1  }
0xda: {  	v45 =	vld [tilespmem:s23+$0x28F0];
	v0 =	vadd.f32 v40, v0  }
0xdb: {  	v1 =	vadd.f32 v41, v1  }
0xdc: {  	v0 =	vadd.f32 v42, v0  }
0xdd: {  	v1 =	vadd.f32 v43, v1  }
0xde: {  	v0 =	vadd.f32 v44, v0  }
0xdf: {  	v1 =	vadd.f32 v45, v1  }
0xe0: {  	[tilespmem:s22+$0xFFFFFC60] =	vst v0  }
0xe1: {  	[tilespmem:s22+$0x60] =	vst v1  }
0xe2: {  	v0 =	vld [tilespmem:s23+$0xFFFFFC80]  }
0xe3: {  	v1 =	vld [tilespmem:s23+$0x2480]  }
0xe4: {  	v46 =	vld [tilespmem:s23+$0xFFFFFD00]  }
0xe5: {  	v47 =	vld [tilespmem:s23+$0x2500]  }
0xe6: {  	v48 =	vld [tilespmem:s23+$0xFFFFFD80]  }
0xe7: {  	v49 =	vld [tilespmem:s23+$0x2580]  }
0xe8: {  	v50 =	vld [tilespmem:s23+$0xFFFFFE00]  }
0xe9: {  	v51 =	vld [tilespmem:s23+$0x2600];
	v0 =	vadd.f32 v46, v0  }
0xea: {  	v52 =	vld [tilespmem:s23+$0xFFFFFE80];
	v1 =	vadd.f32 v47, v1  }
0xeb: {  	v53 =	vld [tilespmem:s23+$0x2680];
	v0 =	vadd.f32 v48, v0  }
0xec: {  	v54 =	vld [tilespmem:s23+$0xFFFFFF00];
	v1 =	vadd.f32 v49, v1  }
0xed: {  	v55 =	vld [tilespmem:s23+$0x2700];
	v0 =	vadd.f32 v50, v0  }
0xee: {  	v56 =	vld [tilespmem:s23+$0xFFFFFF80];
	v1 =	vadd.f32 v51, v1  }
0xef: {  	v57 =	vld [tilespmem:s23+$0x2780];
	v0 =	vadd.f32 v52, v0  }
0xf0: {  	v58 =	vld [tilespmem:s23+$0x0];
	v1 =	vadd.f32 v53, v1  }
0xf1: {  	v59 =	vld [tilespmem:s23+$0x2800];
	v0 =	vadd.f32 v54, v0  }
0xf2: {  	v60 =	vld [tilespmem:s23+$0x80];
	v1 =	vadd.f32 v55, v1  }
0xf3: {  	v61 =	vld [tilespmem:s23+$0x2880];
	v0 =	vadd.f32 v56, v0  }
0xf4: {  	v62 =	vld [tilespmem:s23+$0x100];
	v1 =	vadd.f32 v57, v1  }
0xf5: {  	v63 =	vld [tilespmem:s23+$0x2900];
	v0 =	vadd.f32 v58, v0  }
0xf6: {  	v1 =	vadd.f32 v59, v1  }
0xf7: {  	p0 =	sne.s32 s21, $0x9FC0;
	v0 =	vadd.f32 v60, v0  }
.Ltmp0:
0xf8: {  	v1 =	vadd.f32 v61, v1;
	(pc) =	sbr.rel @p0 .LBB2_3-.Ltmp0, $4  }
0xf9: {  	v0 =	vadd.f32 v62, v0  }
0xfa: {  	v1 =	vadd.f32 v63, v1  }
0xfb: {  	[tilespmem:s22+$0xFFFFFC70] =	vst v0  }
0xfc: {  	s21 =	sadd.s32 $0x1400, s21;
	[tilespmem:s22+$0x70] =	vst v1;
	s22 =	sadd.s32 $0x80, s22  }
0xfd: {  	s19 =	sadd.s32 $0x1, s19  }
0xfe: {  	s20 =	sshll.u32 s20, $0x5;
	p0 =	sne.s32 s19, $0xC4  }
.Ltmp1:
0xff: {  	s20 =	sadd.s32 s7, s20;
	(pc) =	sbr.rel @p0 .LBB2_2-.Ltmp1, $4  }
0x100: {  	[hbm4b:s20+s5] =	stream.linear.scatter [tilespmem:s17], [sflag:$0x3], $0x800, $0x38;
	[tilespmem:$0x5900] =	vst v63  }
0x101: {  	_ =	swait.ge [sflag:s10], $0x800  }
0x102: {  	[sflag:s10] =	ssyncset.done $0x0  }
0x103: {  	[sflag:s10] =	ssyncadd.s32 $0xFFFFF800  }
0x104: {  	s18 =	sadd.s32 $0x1, s18  }
0x105: {  	p0 =	sne.s32 s18, s9  }
.Ltmp2:
0x106: {  	_ = 	snop;
	(pc) =	sbr.rel @p0 .LBB2_1-.Ltmp2, $1  }
0x107: {  	_ =	sdelay $0x3  }
0x108: {  	_ =	sfence.sel $0x180000  }
0x109: {  	[bflag:$0x0] =	sbarrier.arrive $0xFFFF  }
0x10a: {  	p0 =	sne.s32 s4, $0x0;
	_ =	strace $0x90000047  }
0x10b: {  	s0 =	sadd.s32 @!p0 $0x100000, s0;
	[bflag:$0x2] =	sbarrier.arrive $0xFFFF  }
0x10c: {  	[sflag:s0] =	ssyncadd.tile.s32 @!p0 $0x1;
	_ =	shalt  }
.Lfunc_end2:
_tile_overlayer_lowered:
.L_overlay_start_2:
0x10d: {  	(tag) =	ssettag $0x2  }
0x10e: {  	s0 =	rddreg [dreg:$0x0];
	s2 =	stileid.u32  }
0x10f: {  	s1 =	rddreg [dreg:$0x1];
	p0 =	sne.s32 s2, $0x0  }
0x110: {  	s3 =	rddreg [dreg:$0x2];
	[bflag:$0x3] =	sbarrier.arrive $0xFFFF;
	s2 =	simm.s32 @!p0 $0x1C03  }
0x111: {  	[timem:s3], [sflag:s2] =	dma.local @!p0 [hbm:s0], s1  }
0x112: {  	s0 =	simm.s32 @!p0 $0x3  }
0x113: {  	_ =	swait.ge @!p0 [sflag:s0], s1  }
0x114: {  	s1 =	ssub.s32 @!p0 $0x0, s1;
	[sflag:s0] =	ssyncset.done @!p0 $0x0  }
0x115: {  	[sflag:s0] =	ssyncadd.s32 @!p0 s1  }
0x116: {  	[bflag:$0x3] =	sbarrier.arrive $0xFFFF  }
0x117: {  	_ =	shalt  }

</sc_bundles>
